<compile_context>
chip_gen: v7x
topology: tpu7x:2x2x1
jax: 0.10.2.dev20260603
libtpu: 0.0.44.dev20260713+nightly
codegen_flags: <defaults>
</compile_context>

<pallas_src>
import functools

import jax
import jax.numpy as jnp
from jax import lax
from jax.experimental import pallas as pl
from jax.experimental.pallas import tpu as pltpu
from jax.experimental.pallas import tpu_sc as plsc

PATCH = 16
TOP_K = 256
N = 1024
PD = 768
D = 96
DP = 128
RB = 256


def _tc_body(x_ref, w_ref, pb_ref, emb_ref, idx_ref, v_s, sel_s, p_s):
    for ph in range(32):
        strip = x_ref[0, :, ph * PATCH:(ph + 1) * PATCH, :]
        p_s[pl.ds(ph * 32, 32), :] = (strip.reshape(48, 32, PATCH)
                                      .transpose(1, 0, 2).reshape(32, PD))
    x = p_s[...]
    w = w_ref[...]
    emb = jnp.dot(x, w, preferred_element_type=jnp.float32)
    emb_ref[0] = emb + pb_ref[...]
    m = jnp.mean(x, axis=1, keepdims=True)
    xc = x - m
    v = jnp.sum(xc * xc, axis=1) * (1.0 / PD)
    v_s[0, :] = v

    def rank_chunk(i, c):
        vi = v_s[0, pl.ds(i * RB, RB)][:, None]
        vrow = v_s[0, :][None, :]
        col = lax.broadcasted_iota(jnp.int32, (RB, N), 1)
        row = lax.broadcasted_iota(jnp.int32, (RB, N), 0) + i * RB
        jlt = (col < row).astype(jnp.float32)
        gt = (vrow > vi).astype(jnp.float32)
        eq = (vrow == vi).astype(jnp.float32)
        rank = jnp.sum(gt + eq * jlt, axis=1)
        sel_s[0, pl.ds(i * RB, RB)] = (rank < TOP_K).astype(jnp.float32)
        return c

    lax.fori_loop(0, N // RB, rank_chunk, 0)

    def pos_chunk(i, idx_acc):
        selc = sel_s[0, pl.ds(i * RB, RB)]
        selrow = sel_s[0, :][None, :]
        col = lax.broadcasted_iota(jnp.int32, (RB, N), 1)
        row = lax.broadcasted_iota(jnp.int32, (RB, N), 0) + i * RB
        jlt = (col < row).astype(jnp.float32)
        pos = jnp.sum(selrow * jlt, axis=1)
        kcol = lax.broadcasted_iota(jnp.int32, (RB, TOP_K), 1)
        nval = lax.broadcasted_iota(jnp.int32, (RB, TOP_K), 0) + i * RB
        oh = (pos.astype(jnp.int32)[:, None] == kcol) & (selc[:, None] > 0.0)
        return idx_acc + jnp.sum(jnp.where(oh, nval, 0), axis=0)

    idx = lax.fori_loop(0, N // RB, pos_chunk, jnp.zeros((TOP_K,), jnp.int32))
    idx_ref[0, 0] = idx + pl.program_id(0) * N


def _tc_embed(pixels, w, posb, B):
    return pl.pallas_call(
        _tc_body,
        grid=(B,),
        in_specs=[
            pl.BlockSpec((1, 3, 512, 512), lambda b: (b, 0, 0, 0)),
            pl.BlockSpec((PD, DP), lambda b: (0, 0)),
            pl.BlockSpec((N, DP), lambda b: (0, 0)),
        ],
        out_specs=[
            pl.BlockSpec((1, N, DP), lambda b: (b, 0, 0)),
            pl.BlockSpec((1, 1, TOP_K), lambda b: (b, 0, 0)),
        ],
        out_shape=[
            jax.ShapeDtypeStruct((B, N, DP), jnp.float32),
            jax.ShapeDtypeStruct((B, 1, TOP_K), jnp.int32),
        ],
        scratch_shapes=[
            pltpu.VMEM((1, N), jnp.float32),
            pltpu.VMEM((1, N), jnp.float32),
            pltpu.VMEM((N, PD), jnp.float32),
        ],
        compiler_params=pltpu.CompilerParams(
            dimension_semantics=("parallel",)),
    )(pixels, w, posb)


def _sc_body(emb_hbm, idx_hbm, cls_hbm, out_hbm, idx_v, rows_v, sem):
    b = lax.axis_index("s") * 2 + lax.axis_index("c")
    pltpu.sync_copy(idx_hbm.at[b], idx_v)
    pltpu.sync_copy(cls_hbm, rows_v.at[0])
    copies = []
    for j in range(TOP_K // 16):
        iv = idx_v[pl.ds(j * 16, 16)]
        copies.append(
            pltpu.async_copy(emb_hbm.at[iv],
                             rows_v.at[pl.ds(1 + j * 16, 16)], sem))
    for c in copies:
        c.wait()
    pltpu.sync_copy(rows_v, out_hbm.at[b])


@functools.lru_cache(maxsize=None)
def _make_sc(B):
    mesh = plsc.VectorSubcoreMesh(core_axis_name="c", subcore_axis_name="s")
    return functools.partial(
        pl.kernel,
        mesh=mesh,
        out_type=jax.ShapeDtypeStruct((B, TOP_K + 1, DP), jnp.float32),
        scratch_types=[
            pltpu.VMEM((TOP_K,), jnp.int32),
            pltpu.VMEM((TOP_K + 1, DP), jnp.float32),
            pltpu.SemaphoreType.DMA,
        ],
    )(_sc_body)


def kernel(pixel_values, W_patch, b_patch, cls_token, pos_emb):
    B = pixel_values.shape[0]
    wp = jnp.pad(W_patch, ((0, 0), (0, DP - D)))
    posb = jnp.pad(pos_emb[0, 1:, :] + b_patch[None, :], ((0, 0), (0, DP - D)))
    emb, idx = _tc_embed(pixel_values, wp, posb, B)
    clsrow = jnp.pad(cls_token[0, 0] + pos_emb[0, 0], (0, DP - D))
    out = _make_sc(B)(emb.reshape(B * N, DP), idx.reshape(B, TOP_K), clsrow)
    return out[..., :D]

# --- scband reference (transcript-rebuilt; emitter-appended) ---
"""Pipeline reference for scband-intra-image-tokenizer-89644557402597 (READ-ONLY COPY).

The authoritative reference and input builder live on the scoring server;
editing this copy changes nothing except your own understanding.
"""

import jax, jax.numpy as jnp
import numpy as np

PATCH = 16
TOP_K = 256


def _patchify(pv, p):
    B, C, H, W = pv.shape
    ph, pw = H // p, W // p
    x = pv.reshape(B, C, ph, p, pw, p)
    x = x.transpose(0, 2, 4, 1, 3, 5)
    return x.reshape(B, ph * pw, C * p * p)


def setup_inputs(seed: int = 0):
    key = jax.random.key(seed)
    k1, k2, k3, k4 = jax.random.split(key, 4)
    B, C, H, W = 32, 3, 512, 512
    d = 96
    n = (H // PATCH) * (W // PATCH)
    pixel_values = jax.random.normal(k1, (B, C, H, W), dtype=jnp.float32)
    W_patch = jax.random.normal(k2, (C * PATCH * PATCH, d), dtype=jnp.float32) * 0.02
    b_patch = jnp.zeros((d,), dtype=jnp.float32)
    cls_token = jax.random.normal(k3, (1, 1, d), dtype=jnp.float32) * 0.02
    pos_emb = jax.random.normal(k4, (1, n + 1, d), dtype=jnp.float32) * 0.02
    return {"pixel_values": pixel_values, "W_patch": W_patch, "b_patch": b_patch,
            "cls_token": cls_token, "pos_emb": pos_emb}


def reference(pixel_values, W_patch, b_patch, cls_token, pos_emb):
    B = pixel_values.shape[0]
    # self.embeddings.forward(pixel_values): patch embed + CLS + pos emb (ViT-style)
    patches = _patchify(pixel_values, PATCH)  # [B, N, p*p*C]
    emb = patches @ W_patch + b_patch  # [B, N, d]
    cls = jnp.broadcast_to(cls_token, (B, 1, emb.shape[-1]))
    emb = jnp.concatenate([cls, emb], axis=1) + pos_emb  # [B, N+1, d]
    # tokenize: pretokenize -> per-patch variance score -> top-k -> sorted gather
    scores = jnp.var(patches, axis=-1)  # [B, N]
    _, idx = jax.lax.top_k(scores, TOP_K)  # [B, top_k]
    idx = jnp.sort(idx, axis=-1)
    gathered = jnp.take_along_axis(emb[:, 1:, :], idx[:, :, None], axis=1)  # [B, top_k, d]
    out = jnp.concatenate([emb[:, :1, :], gathered], axis=1)  # [B, top_k+1, d]
    return out

if __name__ == "__main__":
    import jax
    _d = setup_inputs()
    print(jax.jit(kernel)(*tuple(_d.values())))

</pallas_src>

<mosaic_0001>
#map = affine_map<(d0, d1) -> (0, 0)>
#map1 = affine_map<(d0, d1) -> (0)>
#map2 = affine_map<(d0, d1) -> (0, 0, 0)>
module attributes {stable_mosaic.version = 14 : i64} {
  func.func @_sc_body(%arg0: i32, %arg1: i32, %arg2: memref<32768x128xf32, #tpu.memory_space<hbm>>, %arg3: memref<32x256xi32, #tpu.memory_space<hbm>>, %arg4: memref<128xf32, #tpu.memory_space<hbm>>, %arg5: memref<32x257x128xf32, #tpu.memory_space<hbm>>, %arg6: memref<256xi32, #tpu.memory_space<vmem>>, %arg7: memref<257x128xf32, #tpu.memory_space<vmem>>, %arg8: memref<!tpu.dma_semaphore, #tpu.memory_space<semaphore_mem>>) attributes {dimension_semantics = [#tpu.dimension_semantics<core_parallel>, #tpu.dimension_semantics<subcore_parallel>], iteration_bounds = array<i64: 2, 16>, scalar_prefetch = 0 : i64, scratch_operands = 3 : i64, tpu.core_type = #tpu.core_type<sc_vector_subcore>, window_params = [{transform_indices = #map}, {transform_indices = #map}, {transform_indices = #map1}, {transform_indices = #map2}]} {
    %mul3A = arith.constant 2 : i32
    %mul3A_0 = arith.muli %arg1, %mul3A : i32
    %add3A = arith.addi %mul3A_0, %arg0 : i32
    "tpu.region"() ({
      %run_scoped3A_238 = tpu.sem_alloc : memref<!tpu.dma_semaphore, #tpu.memory_space<semaphore_mem>>
      %dma_start3A_239 = arith.constant 0 : i32
      %dma_start3A_240 = tpu.memref_slice %arg3[%add3A, %dma_start3A_239] : memref<32x256xi32, #tpu.memory_space<hbm>> -> memref<1x256xi32, #tpu.memory_space<hbm>>
      %dma_start3A_241 = tpu.memref_squeeze %dma_start3A_240 : memref<1x256xi32, #tpu.memory_space<hbm>> -> memref<256xi32, #tpu.memory_space<hbm>>
      %dma_start3A_242 = arith.constant 0 : i32
      %dma_start3A_243 = tpu.memref_slice %arg3[%add3A, %dma_start3A_242] : memref<32x256xi32, #tpu.memory_space<hbm>> -> memref<1x256xi32, #tpu.memory_space<hbm>>
      %dma_start3A_244 = tpu.memref_squeeze %dma_start3A_243 : memref<1x256xi32, #tpu.memory_space<hbm>> -> memref<256xi32, #tpu.memory_space<hbm>>
      tpu.enqueue_dma source(%dma_start3A_244 : memref<256xi32, #tpu.memory_space<hbm>>) target(%arg6 : memref<256xi32, #tpu.memory_space<vmem>>) target_semaphore(%run_scoped3A_238 : memref<!tpu.dma_semaphore, #tpu.memory_space<semaphore_mem>>)
      %dma_wait3A_245 = arith.constant 0 : i32
      %dma_wait3A_246 = tpu.memref_slice %arg3[%add3A, %dma_wait3A_245] : memref<32x256xi32, #tpu.memory_space<hbm>> -> memref<1x256xi32, #tpu.memory_space<hbm>>
      %dma_wait3A_247 = tpu.memref_squeeze %dma_wait3A_246 : memref<1x256xi32, #tpu.memory_space<hbm>> -> memref<256xi32, #tpu.memory_space<hbm>>
      %dma_wait3A_248 = arith.constant 0 : i32
      %dma_wait3A_249 = tpu.memref_slice %arg3[%add3A, %dma_wait3A_248] : memref<32x256xi32, #tpu.memory_space<hbm>> -> memref<1x256xi32, #tpu.memory_space<hbm>>
      %dma_wait3A_250 = tpu.memref_squeeze %dma_wait3A_249 : memref<1x256xi32, #tpu.memory_space<hbm>> -> memref<256xi32, #tpu.memory_space<hbm>>
      tpu.wait_dma2 semaphore(%run_scoped3A_238 : memref<!tpu.dma_semaphore, #tpu.memory_space<semaphore_mem>>) src(%dma_wait3A_250 : memref<256xi32, #tpu.memory_space<hbm>>) dst(%arg6 : memref<256xi32, #tpu.memory_space<vmem>>)
      tpu.yield
    }) : () -> ()
    %run_scoped3A = arith.constant 0 : i32
    "tpu.region"() ({
      %run_scoped3A_238 = tpu.sem_alloc : memref<!tpu.dma_semaphore, #tpu.memory_space<semaphore_mem>>
      %dma_start3A_239 = arith.constant 0 : i32
      %dma_start3A_240 = tpu.memref_slice %arg7[%run_scoped3A, %dma_start3A_239] : memref<257x128xf32, #tpu.memory_space<vmem>> -> memref<1x128xf32, #tpu.memory_space<vmem>>
      %dma_start3A_241 = tpu.memref_squeeze %dma_start3A_240 : memref<1x128xf32, #tpu.memory_space<vmem>> -> memref<128xf32, #tpu.memory_space<vmem>>
      %dma_start3A_242 = arith.constant 0 : i32
      %dma_start3A_243 = tpu.memref_slice %arg7[%run_scoped3A, %dma_start3A_242] : memref<257x128xf32, #tpu.memory_space<vmem>> -> memref<1x128xf32, #tpu.memory_space<vmem>>
      %dma_start3A_244 = tpu.memref_squeeze %dma_start3A_243 : memref<1x128xf32, #tpu.memory_space<vmem>> -> memref<128xf32, #tpu.memory_space<vmem>>
      tpu.enqueue_dma source(%arg4 : memref<128xf32, #tpu.memory_space<hbm>>) target(%dma_start3A_244 : memref<128xf32, #tpu.memory_space<vmem>>) target_semaphore(%run_scoped3A_238 : memref<!tpu.dma_semaphore, #tpu.memory_space<semaphore_mem>>)
      %dma_wait3A_245 = arith.constant 0 : i32
      %dma_wait3A_246 = tpu.memref_slice %arg7[%run_scoped3A, %dma_wait3A_245] : memref<257x128xf32, #tpu.memory_space<vmem>> -> memref<1x128xf32, #tpu.memory_space<vmem>>
      %dma_wait3A_247 = tpu.memref_squeeze %dma_wait3A_246 : memref<1x128xf32, #tpu.memory_space<vmem>> -> memref<128xf32, #tpu.memory_space<vmem>>
      %dma_wait3A_248 = arith.constant 0 : i32
      %dma_wait3A_249 = tpu.memref_slice %arg7[%run_scoped3A, %dma_wait3A_248] : memref<257x128xf32, #tpu.memory_space<vmem>> -> memref<1x128xf32, #tpu.memory_space<vmem>>
      %dma_wait3A_250 = tpu.memref_squeeze %dma_wait3A_249 : memref<1x128xf32, #tpu.memory_space<vmem>> -> memref<128xf32, #tpu.memory_space<vmem>>
      tpu.wait_dma2 semaphore(%run_scoped3A_238 : memref<!tpu.dma_semaphore, #tpu.memory_space<semaphore_mem>>) src(%arg4 : memref<128xf32, #tpu.memory_space<hbm>>) dst(%dma_wait3A_250 : memref<128xf32, #tpu.memory_space<vmem>>)
      tpu.yield
    }) : () -> ()
    %get3A = arith.constant 0 : index
    %get3A_1 = tpu.vector_load %arg6[%get3A] {strides = array<i32>} : memref<256xi32, #tpu.memory_space<vmem>>, vector<16xi32>,
    %get3A_2 = vector.shape_cast %get3A_1 : vector<16xi32> to vector<16xi32>
    %dma_start3A = arith.constant 1 : i32
    %dma_start3A_3 = arith.constant 0 : i32
    %dma_start3A_4 = tpu.memref_slice %arg7[%dma_start3A, %dma_start3A_3] : memref<257x128xf32, #tpu.memory_space<vmem>> -> memref<16x128xf32, #tpu.memory_space<vmem>>
    %dma_start3A_5 = arith.constant 0 : i32
    %dma_start3A_6 = arith.constant 0 : i32
    %dma_start3A_7 = tpu.memref_slice %arg2[%dma_start3A_5, %dma_start3A_6] : memref<32768x128xf32, #tpu.memory_space<hbm>> -> memref<32768x128xf32, #tpu.memory_space<hbm>>
    tpu.enqueue_indirect_dma source(%dma_start3A_7 : memref<32768x128xf32, #tpu.memory_space<hbm>>) target(%dma_start3A_4 : memref<16x128xf32, #tpu.memory_space<vmem>>) offsets(%get3A_2 : vector<16xi32>) semaphore(%arg8 : memref<!tpu.dma_semaphore, #tpu.memory_space<semaphore_mem>>)
    %get3A_8 = arith.constant 16 : index
    %get3A_9 = tpu.vector_load %arg6[%get3A_8] {strides = array<i32>} : memref<256xi32, #tpu.memory_space<vmem>>, vector<16xi32>,
    %get3A_10 = vector.shape_cast %get3A_9 : vector<16xi32> to vector<16xi32>
    %dma_start3A_11 = arith.constant 17 : i32
    %dma_start3A_12 = arith.constant 0 : i32
    %dma_start3A_13 = tpu.memref_slice %arg7[%dma_start3A_11, %dma_start3A_12] : memref<257x128xf32, #tpu.memory_space<vmem>> -> memref<16x128xf32, #tpu.memory_space<vmem>>
    %dma_start3A_14 = arith.constant 0 : i32
    %dma_start3A_15 = arith.constant 0 : i32
    %dma_start3A_16 = tpu.memref_slice %arg2[%dma_start3A_14, %dma_start3A_15] : memref<32768x128xf32, #tpu.memory_space<hbm>> -> memref<32768x128xf32, #tpu.memory_space<hbm>>
    tpu.enqueue_indirect_dma source(%dma_start3A_16 : memref<32768x128xf32, #tpu.memory_space<hbm>>) target(%dma_start3A_13 : memref<16x128xf32, #tpu.memory_space<vmem>>) offsets(%get3A_10 : vector<16xi32>) semaphore(%arg8 : memref<!tpu.dma_semaphore, #tpu.memory_space<semaphore_mem>>)
    %get3A_17 = arith.constant 32 : index
    %get3A_18 = tpu.vector_load %arg6[%get3A_17] {strides = array<i32>} : memref<256xi32, #tpu.memory_space<vmem>>, vector<16xi32>,
    %get3A_19 = vector.shape_cast %get3A_18 : vector<16xi32> to vector<16xi32>
    %dma_start3A_20 = arith.constant 33 : i32
    %dma_start3A_21 = arith.constant 0 : i32
    %dma_start3A_22 = tpu.memref_slice %arg7[%dma_start3A_20, %dma_start3A_21] : memref<257x128xf32, #tpu.memory_space<vmem>> -> memref<16x128xf32, #tpu.memory_space<vmem>>
    %dma_start3A_23 = arith.constant 0 : i32
    %dma_start3A_24 = arith.constant 0 : i32
    %dma_start3A_25 = tpu.memref_slice %arg2[%dma_start3A_23, %dma_start3A_24] : memref<32768x128xf32, #tpu.memory_space<hbm>> -> memref<32768x128xf32, #tpu.memory_space<hbm>>
    tpu.enqueue_indirect_dma source(%dma_start3A_25 : memref<32768x128xf32, #tpu.memory_space<hbm>>) target(%dma_start3A_22 : memref<16x128xf32, #tpu.memory_space<vmem>>) offsets(%get3A_19 : vector<16xi32>) semaphore(%arg8 : memref<!tpu.dma_semaphore, #tpu.memory_space<semaphore_mem>>)
    %get3A_26 = arith.constant 48 : index
    %get3A_27 = tpu.vector_load %arg6[%get3A_26] {strides = array<i32>} : memref<256xi32, #tpu.memory_space<vmem>>, vector<16xi32>,
    %get3A_28 = vector.shape_cast %get3A_27 : vector<16xi32> to vector<16xi32>
    %dma_start3A_29 = arith.constant 49 : i32
    %dma_start3A_30 = arith.constant 0 : i32
    %dma_start3A_31 = tpu.memref_slice %arg7[%dma_start3A_29, %dma_start3A_30] : memref<257x128xf32, #tpu.memory_space<vmem>> -> memref<16x128xf32, #tpu.memory_space<vmem>>
    %dma_start3A_32 = arith.constant 0 : i32
    %dma_start3A_33 = arith.constant 0 : i32
    %dma_start3A_34 = tpu.memref_slice %arg2[%dma_start3A_32, %dma_start3A_33] : memref<32768x128xf32, #tpu.memory_space<hbm>> -> memref<32768x128xf32, #tpu.memory_space<hbm>>
    tpu.enqueue_indirect_dma source(%dma_start3A_34 : memref<32768x128xf32, #tpu.memory_space<hbm>>) target(%dma_start3A_31 : memref<16x128xf32, #tpu.memory_space<vmem>>) offsets(%get3A_28 : vector<16xi32>) semaphore(%arg8 : memref<!tpu.dma_semaphore, #tpu.memory_space<semaphore_mem>>)
    %get3A_35 = arith.constant 64 : index
    %get3A_36 = tpu.vector_load %arg6[%get3A_35] {strides = array<i32>} : memref<256xi32, #tpu.memory_space<vmem>>, vector<16xi32>,
    %get3A_37 = vector.shape_cast %get3A_36 : vector<16xi32> to vector<16xi32>
    %dma_start3A_38 = arith.constant 65 : i32
    %dma_start3A_39 = arith.constant 0 : i32
    %dma_start3A_40 = tpu.memref_slice %arg7[%dma_start3A_38, %dma_start3A_39] : memref<257x128xf32, #tpu.memory_space<vmem>> -> memref<16x128xf32, #tpu.memory_space<vmem>>
    %dma_start3A_41 = arith.constant 0 : i32
    %dma_start3A_42 = arith.constant 0 : i32
    %dma_start3A_43 = tpu.memref_slice %arg2[%dma_start3A_41, %dma_start3A_42] : memref<32768x128xf32, #tpu.memory_space<hbm>> -> memref<32768x128xf32, #tpu.memory_space<hbm>>
    tpu.enqueue_indirect_dma source(%dma_start3A_43 : memref<32768x128xf32, #tpu.memory_space<hbm>>) target(%dma_start3A_40 : memref<16x128xf32, #tpu.memory_space<vmem>>) offsets(%get3A_37 : vector<16xi32>) semaphore(%arg8 : memref<!tpu.dma_semaphore, #tpu.memory_space<semaphore_mem>>)
    %get3A_44 = arith.constant 80 : index
    %get3A_45 = tpu.vector_load %arg6[%get3A_44] {strides = array<i32>} : memref<256xi32, #tpu.memory_space<vmem>>, vector<16xi32>,
    %get3A_46 = vector.shape_cast %get3A_45 : vector<16xi32> to vector<16xi32>
    %dma_start3A_47 = arith.constant 81 : i32
    %dma_start3A_48 = arith.constant 0 : i32
    %dma_start3A_49 = tpu.memref_slice %arg7[%dma_start3A_47, %dma_start3A_48] : memref<257x128xf32, #tpu.memory_space<vmem>> -> memref<16x128xf32, #tpu.memory_space<vmem>>
    %dma_start3A_50 = arith.constant 0 : i32
    %dma_start3A_51 = arith.constant 0 : i32
    %dma_start3A_52 = tpu.memref_slice %arg2[%dma_start3A_50, %dma_start3A_51] : memref<32768x128xf32, #tpu.memory_space<hbm>> -> memref<32768x128xf32, #tpu.memory_space<hbm>>
    tpu.enqueue_indirect_dma source(%dma_start3A_52 : memref<32768x128xf32, #tpu.memory_space<hbm>>) target(%dma_start3A_49 : memref<16x128xf32, #tpu.memory_space<vmem>>) offsets(%get3A_46 : vector<16xi32>) semaphore(%arg8 : memref<!tpu.dma_semaphore, #tpu.memory_space<semaphore_mem>>)
    %get3A_53 = arith.constant 96 : index
    %get3A_54 = tpu.vector_load %arg6[%get3A_53] {strides = array<i32>} : memref<256xi32, #tpu.memory_space<vmem>>, vector<16xi32>,
    %get3A_55 = vector.shape_cast %get3A_54 : vector<16xi32> to vector<16xi32>
    %dma_start3A_56 = arith.constant 97 : i32
    %dma_start3A_57 = arith.constant 0 : i32
    %dma_start3A_58 = tpu.memref_slice %arg7[%dma_start3A_56, %dma_start3A_57] : memref<257x128xf32, #tpu.memory_space<vmem>> -> memref<16x128xf32, #tpu.memory_space<vmem>>
    %dma_start3A_59 = arith.constant 0 : i32
    %dma_start3A_60 = arith.constant 0 : i32
    %dma_start3A_61 = tpu.memref_slice %arg2[%dma_start3A_59, %dma_start3A_60] : memref<32768x128xf32, #tpu.memory_space<hbm>> -> memref<32768x128xf32, #tpu.memory_space<hbm>>
    tpu.enqueue_indirect_dma source(%dma_start3A_61 : memref<32768x128xf32, #tpu.memory_space<hbm>>) target(%dma_start3A_58 : memref<16x128xf32, #tpu.memory_space<vmem>>) offsets(%get3A_55 : vector<16xi32>) semaphore(%arg8 : memref<!tpu.dma_semaphore, #tpu.memory_space<semaphore_mem>>)
    %get3A_62 = arith.constant 112 : index
    %get3A_63 = tpu.vector_load %arg6[%get3A_62] {strides = array<i32>} : memref<256xi32, #tpu.memory_space<vmem>>, vector<16xi32>,
    %get3A_64 = vector.shape_cast %get3A_63 : vector<16xi32> to vector<16xi32>
    %dma_start3A_65 = arith.constant 113 : i32
    %dma_start3A_66 = arith.constant 0 : i32
    %dma_start3A_67 = tpu.memref_slice %arg7[%dma_start3A_65, %dma_start3A_66] : memref<257x128xf32, #tpu.memory_space<vmem>> -> memref<16x128xf32, #tpu.memory_space<vmem>>
    %dma_start3A_68 = arith.constant 0 : i32
    %dma_start3A_69 = arith.constant 0 : i32
    %dma_start3A_70 = tpu.memref_slice %arg2[%dma_start3A_68, %dma_start3A_69] : memref<32768x128xf32, #tpu.memory_space<hbm>> -> memref<32768x128xf32, #tpu.memory_space<hbm>>
    tpu.enqueue_indirect_dma source(%dma_start3A_70 : memref<32768x128xf32, #tpu.memory_space<hbm>>) target(%dma_start3A_67 : memref<16x128xf32, #tpu.memory_space<vmem>>) offsets(%get3A_64 : vector<16xi32>) semaphore(%arg8 : memref<!tpu.dma_semaphore, #tpu.memory_space<semaphore_mem>>)
    %get3A_71 = arith.constant 128 : index
    %get3A_72 = tpu.vector_load %arg6[%get3A_71] {strides = array<i32>} : memref<256xi32, #tpu.memory_space<vmem>>, vector<16xi32>,
    %get3A_73 = vector.shape_cast %get3A_72 : vector<16xi32> to vector<16xi32>
    %dma_start3A_74 = arith.constant 129 : i32
    %dma_start3A_75 = arith.constant 0 : i32
    %dma_start3A_76 = tpu.memref_slice %arg7[%dma_start3A_74, %dma_start3A_75] : memref<257x128xf32, #tpu.memory_space<vmem>> -> memref<16x128xf32, #tpu.memory_space<vmem>>
    %dma_start3A_77 = arith.constant 0 : i32
    %dma_start3A_78 = arith.constant 0 : i32
    %dma_start3A_79 = tpu.memref_slice %arg2[%dma_start3A_77, %dma_start3A_78] : memref<32768x128xf32, #tpu.memory_space<hbm>> -> memref<32768x128xf32, #tpu.memory_space<hbm>>
    tpu.enqueue_indirect_dma source(%dma_start3A_79 : memref<32768x128xf32, #tpu.memory_space<hbm>>) target(%dma_start3A_76 : memref<16x128xf32, #tpu.memory_space<vmem>>) offsets(%get3A_73 : vector<16xi32>) semaphore(%arg8 : memref<!tpu.dma_semaphore, #tpu.memory_space<semaphore_mem>>)
    %get3A_80 = arith.constant 144 : index
    %get3A_81 = tpu.vector_load %arg6[%get3A_80] {strides = array<i32>} : memref<256xi32, #tpu.memory_space<vmem>>, vector<16xi32>,
    %get3A_82 = vector.shape_cast %get3A_81 : vector<16xi32> to vector<16xi32>
    %dma_start3A_83 = arith.constant 145 : i32
    %dma_start3A_84 = arith.constant 0 : i32
    %dma_start3A_85 = tpu.memref_slice %arg7[%dma_start3A_83, %dma_start3A_84] : memref<257x128xf32, #tpu.memory_space<vmem>> -> memref<16x128xf32, #tpu.memory_space<vmem>>
    %dma_start3A_86 = arith.constant 0 : i32
    %dma_start3A_87 = arith.constant 0 : i32
    %dma_start3A_88 = tpu.memref_slice %arg2[%dma_start3A_86, %dma_start3A_87] : memref<32768x128xf32, #tpu.memory_space<hbm>> -> memref<32768x128xf32, #tpu.memory_space<hbm>>
    tpu.enqueue_indirect_dma source(%dma_start3A_88 : memref<32768x128xf32, #tpu.memory_space<hbm>>) target(%dma_start3A_85 : memref<16x128xf32, #tpu.memory_space<vmem>>) offsets(%get3A_82 : vector<16xi32>) semaphore(%arg8 : memref<!tpu.dma_semaphore, #tpu.memory_space<semaphore_mem>>)
    %get3A_89 = arith.constant 160 : index
    %get3A_90 = tpu.vector_load %arg6[%get3A_89] {strides = array<i32>} : memref<256xi32, #tpu.memory_space<vmem>>, vector<16xi32>,
    %get3A_91 = vector.shape_cast %get3A_90 : vector<16xi32> to vector<16xi32>
    %dma_start3A_92 = arith.constant 161 : i32
    %dma_start3A_93 = arith.constant 0 : i32
    %dma_start3A_94 = tpu.memref_slice %arg7[%dma_start3A_92, %dma_start3A_93] : memref<257x128xf32, #tpu.memory_space<vmem>> -> memref<16x128xf32, #tpu.memory_space<vmem>>
    %dma_start3A_95 = arith.constant 0 : i32
    %dma_start3A_96 = arith.constant 0 : i32
    %dma_start3A_97 = tpu.memref_slice %arg2[%dma_start3A_95, %dma_start3A_96] : memref<32768x128xf32, #tpu.memory_space<hbm>> -> memref<32768x128xf32, #tpu.memory_space<hbm>>
    tpu.enqueue_indirect_dma source(%dma_start3A_97 : memref<32768x128xf32, #tpu.memory_space<hbm>>) target(%dma_start3A_94 : memref<16x128xf32, #tpu.memory_space<vmem>>) offsets(%get3A_91 : vector<16xi32>) semaphore(%arg8 : memref<!tpu.dma_semaphore, #tpu.memory_space<semaphore_mem>>)
    %get3A_98 = arith.constant 176 : index
    %get3A_99 = tpu.vector_load %arg6[%get3A_98] {strides = array<i32>} : memref<256xi32, #tpu.memory_space<vmem>>, vector<16xi32>,
    %get3A_100 = vector.shape_cast %get3A_99 : vector<16xi32> to vector<16xi32>
    %dma_start3A_101 = arith.constant 177 : i32
    %dma_start3A_102 = arith.constant 0 : i32
    %dma_start3A_103 = tpu.memref_slice %arg7[%dma_start3A_101, %dma_start3A_102] : memref<257x128xf32, #tpu.memory_space<vmem>> -> memref<16x128xf32, #tpu.memory_space<vmem>>
    %dma_start3A_104 = arith.constant 0 : i32
    %dma_start3A_105 = arith.constant 0 : i32
    %dma_start3A_106 = tpu.memref_slice %arg2[%dma_start3A_104, %dma_start3A_105] : memref<32768x128xf32, #tpu.memory_space<hbm>> -> memref<32768x128xf32, #tpu.memory_space<hbm>>
    tpu.enqueue_indirect_dma source(%dma_start3A_106 : memref<32768x128xf32, #tpu.memory_space<hbm>>) target(%dma_start3A_103 : memref<16x128xf32, #tpu.memory_space<vmem>>) offsets(%get3A_100 : vector<16xi32>) semaphore(%arg8 : memref<!tpu.dma_semaphore, #tpu.memory_space<semaphore_mem>>)
    %get3A_107 = arith.constant 192 : index
    %get3A_108 = tpu.vector_load %arg6[%get3A_107] {strides = array<i32>} : memref<256xi32, #tpu.memory_space<vmem>>, vector<16xi32>,
    %get3A_109 = vector.shape_cast %get3A_108 : vector<16xi32> to vector<16xi32>
    %dma_start3A_110 = arith.constant 193 : i32
    %dma_start3A_111 = arith.constant 0 : i32
    %dma_start3A_112 = tpu.memref_slice %arg7[%dma_start3A_110, %dma_start3A_111] : memref<257x128xf32, #tpu.memory_space<vmem>> -> memref<16x128xf32, #tpu.memory_space<vmem>>
    %dma_start3A_113 = arith.constant 0 : i32
    %dma_start3A_114 = arith.constant 0 : i32
    %dma_start3A_115 = tpu.memref_slice %arg2[%dma_start3A_113, %dma_start3A_114] : memref<32768x128xf32, #tpu.memory_space<hbm>> -> memref<32768x128xf32, #tpu.memory_space<hbm>>
    tpu.enqueue_indirect_dma source(%dma_start3A_115 : memref<32768x128xf32, #tpu.memory_space<hbm>>) target(%dma_start3A_112 : memref<16x128xf32, #tpu.memory_space<vmem>>) offsets(%get3A_109 : vector<16xi32>) semaphore(%arg8 : memref<!tpu.dma_semaphore, #tpu.memory_space<semaphore_mem>>)
    %get3A_116 = arith.constant 208 : index
    %get3A_117 = tpu.vector_load %arg6[%get3A_116] {strides = array<i32>} : memref<256xi32, #tpu.memory_space<vmem>>, vector<16xi32>,
    %get3A_118 = vector.shape_cast %get3A_117 : vector<16xi32> to vector<16xi32>
    %dma_start3A_119 = arith.constant 209 : i32
    %dma_start3A_120 = arith.constant 0 : i32
    %dma_start3A_121 = tpu.memref_slice %arg7[%dma_start3A_119, %dma_start3A_120] : memref<257x128xf32, #tpu.memory_space<vmem>> -> memref<16x128xf32, #tpu.memory_space<vmem>>
    %dma_start3A_122 = arith.constant 0 : i32
    %dma_start3A_123 = arith.constant 0 : i32
    %dma_start3A_124 = tpu.memref_slice %arg2[%dma_start3A_122, %dma_start3A_123] : memref<32768x128xf32, #tpu.memory_space<hbm>> -> memref<32768x128xf32, #tpu.memory_space<hbm>>
    tpu.enqueue_indirect_dma source(%dma_start3A_124 : memref<32768x128xf32, #tpu.memory_space<hbm>>) target(%dma_start3A_121 : memref<16x128xf32, #tpu.memory_space<vmem>>) offsets(%get3A_118 : vector<16xi32>) semaphore(%arg8 : memref<!tpu.dma_semaphore, #tpu.memory_space<semaphore_mem>>)
    %get3A_125 = arith.constant 224 : index
    %get3A_126 = tpu.vector_load %arg6[%get3A_125] {strides = array<i32>} : memref<256xi32, #tpu.memory_space<vmem>>, vector<16xi32>,
    %get3A_127 = vector.shape_cast %get3A_126 : vector<16xi32> to vector<16xi32>
    %dma_start3A_128 = arith.constant 225 : i32
    %dma_start3A_129 = arith.constant 0 : i32
    %dma_start3A_130 = tpu.memref_slice %arg7[%dma_start3A_128, %dma_start3A_129] : memref<257x128xf32, #tpu.memory_space<vmem>> -> memref<16x128xf32, #tpu.memory_space<vmem>>
    %dma_start3A_131 = arith.constant 0 : i32
    %dma_start3A_132 = arith.constant 0 : i32
    %dma_start3A_133 = tpu.memref_slice %arg2[%dma_start3A_131, %dma_start3A_132] : memref<32768x128xf32, #tpu.memory_space<hbm>> -> memref<32768x128xf32, #tpu.memory_space<hbm>>
    tpu.enqueue_indirect_dma source(%dma_start3A_133 : memref<32768x128xf32, #tpu.memory_space<hbm>>) target(%dma_start3A_130 : memref<16x128xf32, #tpu.memory_space<vmem>>) offsets(%get3A_127 : vector<16xi32>) semaphore(%arg8 : memref<!tpu.dma_semaphore, #tpu.memory_space<semaphore_mem>>)
    %get3A_134 = arith.constant 240 : index
    %get3A_135 = tpu.vector_load %arg6[%get3A_134] {strides = array<i32>} : memref<256xi32, #tpu.memory_space<vmem>>, vector<16xi32>,
    %get3A_136 = vector.shape_cast %get3A_135 : vector<16xi32> to vector<16xi32>
    %dma_start3A_137 = arith.constant 241 : i32
    %dma_start3A_138 = arith.constant 0 : i32
    %dma_start3A_139 = tpu.memref_slice %arg7[%dma_start3A_137, %dma_start3A_138] : memref<257x128xf32, #tpu.memory_space<vmem>> -> memref<16x128xf32, #tpu.memory_space<vmem>>
    %dma_start3A_140 = arith.constant 0 : i32
    %dma_start3A_141 = arith.constant 0 : i32
    %dma_start3A_142 = tpu.memref_slice %arg2[%dma_start3A_140, %dma_start3A_141] : memref<32768x128xf32, #tpu.memory_space<hbm>> -> memref<32768x128xf32, #tpu.memory_space<hbm>>
    tpu.enqueue_indirect_dma source(%dma_start3A_142 : memref<32768x128xf32, #tpu.memory_space<hbm>>) target(%dma_start3A_139 : memref<16x128xf32, #tpu.memory_space<vmem>>) offsets(%get3A_136 : vector<16xi32>) semaphore(%arg8 : memref<!tpu.dma_semaphore, #tpu.memory_space<semaphore_mem>>)
    %dma_wait3A = arith.constant 1 : i32
    %dma_wait3A_143 = arith.constant 0 : i32
    %dma_wait3A_144 = tpu.memref_slice %arg7[%dma_wait3A, %dma_wait3A_143] : memref<257x128xf32, #tpu.memory_space<vmem>> -> memref<16x128xf32, #tpu.memory_space<vmem>>
    %dma_wait3A_145 = arith.constant 0 : i32
    %dma_wait3A_146 = arith.constant 0 : i32
    %dma_wait3A_147 = tpu.memref_slice %arg2[%dma_wait3A_145, %dma_wait3A_146] : memref<32768x128xf32, #tpu.memory_space<hbm>> -> memref<32768x128xf32, #tpu.memory_space<hbm>>
    tpu.wait_indirect_dma semaphore(%arg8 : memref<!tpu.dma_semaphore, #tpu.memory_space<semaphore_mem>>) src(%dma_wait3A_147 : memref<32768x128xf32, #tpu.memory_space<hbm>>) dst(%dma_wait3A_144 : memref<16x128xf32, #tpu.memory_space<vmem>>)
    %dma_wait3A_148 = arith.constant 17 : i32
    %dma_wait3A_149 = arith.constant 0 : i32
    %dma_wait3A_150 = tpu.memref_slice %arg7[%dma_wait3A_148, %dma_wait3A_149] : memref<257x128xf32, #tpu.memory_space<vmem>> -> memref<16x128xf32, #tpu.memory_space<vmem>>
    %dma_wait3A_151 = arith.constant 0 : i32
    %dma_wait3A_152 = arith.constant 0 : i32
    %dma_wait3A_153 = tpu.memref_slice %arg2[%dma_wait3A_151, %dma_wait3A_152] : memref<32768x128xf32, #tpu.memory_space<hbm>> -> memref<32768x128xf32, #tpu.memory_space<hbm>>
    tpu.wait_indirect_dma semaphore(%arg8 : memref<!tpu.dma_semaphore, #tpu.memory_space<semaphore_mem>>) src(%dma_wait3A_153 : memref<32768x128xf32, #tpu.memory_space<hbm>>) dst(%dma_wait3A_150 : memref<16x128xf32, #tpu.memory_space<vmem>>)
    %dma_wait3A_154 = arith.constant 33 : i32
    %dma_wait3A_155 = arith.constant 0 : i32
    %dma_wait3A_156 = tpu.memref_slice %arg7[%dma_wait3A_154, %dma_wait3A_155] : memref<257x128xf32, #tpu.memory_space<vmem>> -> memref<16x128xf32, #tpu.memory_space<vmem>>
    %dma_wait3A_157 = arith.constant 0 : i32
    %dma_wait3A_158 = arith.constant 0 : i32
    %dma_wait3A_159 = tpu.memref_slice %arg2[%dma_wait3A_157, %dma_wait3A_158] : memref<32768x128xf32, #tpu.memory_space<hbm>> -> memref<32768x128xf32, #tpu.memory_space<hbm>>
    tpu.wait_indirect_dma semaphore(%arg8 : memref<!tpu.dma_semaphore, #tpu.memory_space<semaphore_mem>>) src(%dma_wait3A_159 : memref<32768x128xf32, #tpu.memory_space<hbm>>) dst(%dma_wait3A_156 : memref<16x128xf32, #tpu.memory_space<vmem>>)
    %dma_wait3A_160 = arith.constant 49 : i32
    %dma_wait3A_161 = arith.constant 0 : i32
    %dma_wait3A_162 = tpu.memref_slice %arg7[%dma_wait3A_160, %dma_wait3A_161] : memref<257x128xf32, #tpu.memory_space<vmem>> -> memref<16x128xf32, #tpu.memory_space<vmem>>
    %dma_wait3A_163 = arith.constant 0 : i32
    %dma_wait3A_164 = arith.constant 0 : i32
    %dma_wait3A_165 = tpu.memref_slice %arg2[%dma_wait3A_163, %dma_wait3A_164] : memref<32768x128xf32, #tpu.memory_space<hbm>> -> memref<32768x128xf32, #tpu.memory_space<hbm>>
    tpu.wait_indirect_dma semaphore(%arg8 : memref<!tpu.dma_semaphore, #tpu.memory_space<semaphore_mem>>) src(%dma_wait3A_165 : memref<32768x128xf32, #tpu.memory_space<hbm>>) dst(%dma_wait3A_162 : memref<16x128xf32, #tpu.memory_space<vmem>>)
    %dma_wait3A_166 = arith.constant 65 : i32
    %dma_wait3A_167 = arith.constant 0 : i32
    %dma_wait3A_168 = tpu.memref_slice %arg7[%dma_wait3A_166, %dma_wait3A_167] : memref<257x128xf32, #tpu.memory_space<vmem>> -> memref<16x128xf32, #tpu.memory_space<vmem>>
    %dma_wait3A_169 = arith.constant 0 : i32
    %dma_wait3A_170 = arith.constant 0 : i32
    %dma_wait3A_171 = tpu.memref_slice %arg2[%dma_wait3A_169, %dma_wait3A_170] : memref<32768x128xf32, #tpu.memory_space<hbm>> -> memref<32768x128xf32, #tpu.memory_space<hbm>>
    tpu.wait_indirect_dma semaphore(%arg8 : memref<!tpu.dma_semaphore, #tpu.memory_space<semaphore_mem>>) src(%dma_wait3A_171 : memref<32768x128xf32, #tpu.memory_space<hbm>>) dst(%dma_wait3A_168 : memref<16x128xf32, #tpu.memory_space<vmem>>)
    %dma_wait3A_172 = arith.constant 81 : i32
    %dma_wait3A_173 = arith.constant 0 : i32
    %dma_wait3A_174 = tpu.memref_slice %arg7[%dma_wait3A_172, %dma_wait3A_173] : memref<257x128xf32, #tpu.memory_space<vmem>> -> memref<16x128xf32, #tpu.memory_space<vmem>>
    %dma_wait3A_175 = arith.constant 0 : i32
    %dma_wait3A_176 = arith.constant 0 : i32
    %dma_wait3A_177 = tpu.memref_slice %arg2[%dma_wait3A_175, %dma_wait3A_176] : memref<32768x128xf32, #tpu.memory_space<hbm>> -> memref<32768x128xf32, #tpu.memory_space<hbm>>
    tpu.wait_indirect_dma semaphore(%arg8 : memref<!tpu.dma_semaphore, #tpu.memory_space<semaphore_mem>>) src(%dma_wait3A_177 : memref<32768x128xf32, #tpu.memory_space<hbm>>) dst(%dma_wait3A_174 : memref<16x128xf32, #tpu.memory_space<vmem>>)
    %dma_wait3A_178 = arith.constant 97 : i32
    %dma_wait3A_179 = arith.constant 0 : i32
    %dma_wait3A_180 = tpu.memref_slice %arg7[%dma_wait3A_178, %dma_wait3A_179] : memref<257x128xf32, #tpu.memory_space<vmem>> -> memref<16x128xf32, #tpu.memory_space<vmem>>
    %dma_wait3A_181 = arith.constant 0 : i32
    %dma_wait3A_182 = arith.constant 0 : i32
    %dma_wait3A_183 = tpu.memref_slice %arg2[%dma_wait3A_181, %dma_wait3A_182] : memref<32768x128xf32, #tpu.memory_space<hbm>> -> memref<32768x128xf32, #tpu.memory_space<hbm>>
    tpu.wait_indirect_dma semaphore(%arg8 : memref<!tpu.dma_semaphore, #tpu.memory_space<semaphore_mem>>) src(%dma_wait3A_183 : memref<32768x128xf32, #tpu.memory_space<hbm>>) dst(%dma_wait3A_180 : memref<16x128xf32, #tpu.memory_space<vmem>>)
    %dma_wait3A_184 = arith.constant 113 : i32
    %dma_wait3A_185 = arith.constant 0 : i32
    %dma_wait3A_186 = tpu.memref_slice %arg7[%dma_wait3A_184, %dma_wait3A_185] : memref<257x128xf32, #tpu.memory_space<vmem>> -> memref<16x128xf32, #tpu.memory_space<vmem>>
    %dma_wait3A_187 = arith.constant 0 : i32
    %dma_wait3A_188 = arith.constant 0 : i32
    %dma_wait3A_189 = tpu.memref_slice %arg2[%dma_wait3A_187, %dma_wait3A_188] : memref<32768x128xf32, #tpu.memory_space<hbm>> -> memref<32768x128xf32, #tpu.memory_space<hbm>>
    tpu.wait_indirect_dma semaphore(%arg8 : memref<!tpu.dma_semaphore, #tpu.memory_space<semaphore_mem>>) src(%dma_wait3A_189 : memref<32768x128xf32, #tpu.memory_space<hbm>>) dst(%dma_wait3A_186 : memref<16x128xf32, #tpu.memory_space<vmem>>)
    %dma_wait3A_190 = arith.constant 129 : i32
    %dma_wait3A_191 = arith.constant 0 : i32
    %dma_wait3A_192 = tpu.memref_slice %arg7[%dma_wait3A_190, %dma_wait3A_191] : memref<257x128xf32, #tpu.memory_space<vmem>> -> memref<16x128xf32, #tpu.memory_space<vmem>>
    %dma_wait3A_193 = arith.constant 0 : i32
    %dma_wait3A_194 = arith.constant 0 : i32
    %dma_wait3A_195 = tpu.memref_slice %arg2[%dma_wait3A_193, %dma_wait3A_194] : memref<32768x128xf32, #tpu.memory_space<hbm>> -> memref<32768x128xf32, #tpu.memory_space<hbm>>
    tpu.wait_indirect_dma semaphore(%arg8 : memref<!tpu.dma_semaphore, #tpu.memory_space<semaphore_mem>>) src(%dma_wait3A_195 : memref<32768x128xf32, #tpu.memory_space<hbm>>) dst(%dma_wait3A_192 : memref<16x128xf32, #tpu.memory_space<vmem>>)
    %dma_wait3A_196 = arith.constant 145 : i32
    %dma_wait3A_197 = arith.constant 0 : i32
    %dma_wait3A_198 = tpu.memref_slice %arg7[%dma_wait3A_196, %dma_wait3A_197] : memref<257x128xf32, #tpu.memory_space<vmem>> -> memref<16x128xf32, #tpu.memory_space<vmem>>
    %dma_wait3A_199 = arith.constant 0 : i32
    %dma_wait3A_200 = arith.constant 0 : i32
    %dma_wait3A_201 = tpu.memref_slice %arg2[%dma_wait3A_199, %dma_wait3A_200] : memref<32768x128xf32, #tpu.memory_space<hbm>> -> memref<32768x128xf32, #tpu.memory_space<hbm>>
    tpu.wait_indirect_dma semaphore(%arg8 : memref<!tpu.dma_semaphore, #tpu.memory_space<semaphore_mem>>) src(%dma_wait3A_201 : memref<32768x128xf32, #tpu.memory_space<hbm>>) dst(%dma_wait3A_198 : memref<16x128xf32, #tpu.memory_space<vmem>>)
    %dma_wait3A_202 = arith.constant 161 : i32
    %dma_wait3A_203 = arith.constant 0 : i32
    %dma_wait3A_204 = tpu.memref_slice %arg7[%dma_wait3A_202, %dma_wait3A_203] : memref<257x128xf32, #tpu.memory_space<vmem>> -> memref<16x128xf32, #tpu.memory_space<vmem>>
    %dma_wait3A_205 = arith.constant 0 : i32
    %dma_wait3A_206 = arith.constant 0 : i32
    %dma_wait3A_207 = tpu.memref_slice %arg2[%dma_wait3A_205, %dma_wait3A_206] : memref<32768x128xf32, #tpu.memory_space<hbm>> -> memref<32768x128xf32, #tpu.memory_space<hbm>>
    tpu.wait_indirect_dma semaphore(%arg8 : memref<!tpu.dma_semaphore, #tpu.memory_space<semaphore_mem>>) src(%dma_wait3A_207 : memref<32768x128xf32, #tpu.memory_space<hbm>>) dst(%dma_wait3A_204 : memref<16x128xf32, #tpu.memory_space<vmem>>)
    %dma_wait3A_208 = arith.constant 177 : i32
    %dma_wait3A_209 = arith.constant 0 : i32
    %dma_wait3A_210 = tpu.memref_slice %arg7[%dma_wait3A_208, %dma_wait3A_209] : memref<257x128xf32, #tpu.memory_space<vmem>> -> memref<16x128xf32, #tpu.memory_space<vmem>>
    %dma_wait3A_211 = arith.constant 0 : i32
    %dma_wait3A_212 = arith.constant 0 : i32
    %dma_wait3A_213 = tpu.memref_slice %arg2[%dma_wait3A_211, %dma_wait3A_212] : memref<32768x128xf32, #tpu.memory_space<hbm>> -> memref<32768x128xf32, #tpu.memory_space<hbm>>
    tpu.wait_indirect_dma semaphore(%arg8 : memref<!tpu.dma_semaphore, #tpu.memory_space<semaphore_mem>>) src(%dma_wait3A_213 : memref<32768x128xf32, #tpu.memory_space<hbm>>) dst(%dma_wait3A_210 : memref<16x128xf32, #tpu.memory_space<vmem>>)
    %dma_wait3A_214 = arith.constant 193 : i32
    %dma_wait3A_215 = arith.constant 0 : i32
    %dma_wait3A_216 = tpu.memref_slice %arg7[%dma_wait3A_214, %dma_wait3A_215] : memref<257x128xf32, #tpu.memory_space<vmem>> -> memref<16x128xf32, #tpu.memory_space<vmem>>
    %dma_wait3A_217 = arith.constant 0 : i32
    %dma_wait3A_218 = arith.constant 0 : i32
    %dma_wait3A_219 = tpu.memref_slice %arg2[%dma_wait3A_217, %dma_wait3A_218] : memref<32768x128xf32, #tpu.memory_space<hbm>> -> memref<32768x128xf32, #tpu.memory_space<hbm>>
    tpu.wait_indirect_dma semaphore(%arg8 : memref<!tpu.dma_semaphore, #tpu.memory_space<semaphore_mem>>) src(%dma_wait3A_219 : memref<32768x128xf32, #tpu.memory_space<hbm>>) dst(%dma_wait3A_216 : memref<16x128xf32, #tpu.memory_space<vmem>>)
    %dma_wait3A_220 = arith.constant 209 : i32
    %dma_wait3A_221 = arith.constant 0 : i32
    %dma_wait3A_222 = tpu.memref_slice %arg7[%dma_wait3A_220, %dma_wait3A_221] : memref<257x128xf32, #tpu.memory_space<vmem>> -> memref<16x128xf32, #tpu.memory_space<vmem>>
    %dma_wait3A_223 = arith.constant 0 : i32
    %dma_wait3A_224 = arith.constant 0 : i32
    %dma_wait3A_225 = tpu.memref_slice %arg2[%dma_wait3A_223, %dma_wait3A_224] : memref<32768x128xf32, #tpu.memory_space<hbm>> -> memref<32768x128xf32, #tpu.memory_space<hbm>>
    tpu.wait_indirect_dma semaphore(%arg8 : memref<!tpu.dma_semaphore, #tpu.memory_space<semaphore_mem>>) src(%dma_wait3A_225 : memref<32768x128xf32, #tpu.memory_space<hbm>>) dst(%dma_wait3A_222 : memref<16x128xf32, #tpu.memory_space<vmem>>)
    %dma_wait3A_226 = arith.constant 225 : i32
    %dma_wait3A_227 = arith.constant 0 : i32
    %dma_wait3A_228 = tpu.memref_slice %arg7[%dma_wait3A_226, %dma_wait3A_227] : memref<257x128xf32, #tpu.memory_space<vmem>> -> memref<16x128xf32, #tpu.memory_space<vmem>>
    %dma_wait3A_229 = arith.constant 0 : i32
    %dma_wait3A_230 = arith.constant 0 : i32
    %dma_wait3A_231 = tpu.memref_slice %arg2[%dma_wait3A_229, %dma_wait3A_230] : memref<32768x128xf32, #tpu.memory_space<hbm>> -> memref<32768x128xf32, #tpu.memory_space<hbm>>
    tpu.wait_indirect_dma semaphore(%arg8 : memref<!tpu.dma_semaphore, #tpu.memory_space<semaphore_mem>>) src(%dma_wait3A_231 : memref<32768x128xf32, #tpu.memory_space<hbm>>) dst(%dma_wait3A_228 : memref<16x128xf32, #tpu.memory_space<vmem>>)
    %dma_wait3A_232 = arith.constant 241 : i32
    %dma_wait3A_233 = arith.constant 0 : i32
    %dma_wait3A_234 = tpu.memref_slice %arg7[%dma_wait3A_232, %dma_wait3A_233] : memref<257x128xf32, #tpu.memory_space<vmem>> -> memref<16x128xf32, #tpu.memory_space<vmem>>
    %dma_wait3A_235 = arith.constant 0 : i32
    %dma_wait3A_236 = arith.constant 0 : i32
    %dma_wait3A_237 = tpu.memref_slice %arg2[%dma_wait3A_235, %dma_wait3A_236] : memref<32768x128xf32, #tpu.memory_space<hbm>> -> memref<32768x128xf32, #tpu.memory_space<hbm>>
    tpu.wait_indirect_dma semaphore(%arg8 : memref<!tpu.dma_semaphore, #tpu.memory_space<semaphore_mem>>) src(%dma_wait3A_237 : memref<32768x128xf32, #tpu.memory_space<hbm>>) dst(%dma_wait3A_234 : memref<16x128xf32, #tpu.memory_space<vmem>>)
    "tpu.region"() ({
      %run_scoped3A_238 = tpu.sem_alloc : memref<!tpu.dma_semaphore, #tpu.memory_space<semaphore_mem>>
      %dma_start3A_239 = arith.constant 0 : i32
      %dma_start3A_240 = arith.constant 0 : i32
      %dma_start3A_241 = tpu.memref_slice %arg5[%add3A, %dma_start3A_239, %dma_start3A_240] : memref<32x257x128xf32, #tpu.memory_space<hbm>> -> memref<1x257x128xf32, #tpu.memory_space<hbm>>
      %dma_start3A_242 = tpu.memref_squeeze %dma_start3A_241 : memref<1x257x128xf32, #tpu.memory_space<hbm>> -> memref<257x128xf32, #tpu.memory_space<hbm>>
      %dma_start3A_243 = arith.constant 0 : i32
      %dma_start3A_244 = arith.constant 0 : i32
      %dma_start3A_245 = tpu.memref_slice %arg5[%add3A, %dma_start3A_243, %dma_start3A_244] : memref<32x257x128xf32, #tpu.memory_space<hbm>> -> memref<1x257x128xf32, #tpu.memory_space<hbm>>
      %dma_start3A_246 = tpu.memref_squeeze %dma_start3A_245 : memref<1x257x128xf32, #tpu.memory_space<hbm>> -> memref<257x128xf32, #tpu.memory_space<hbm>>
      tpu.enqueue_dma source(%arg7 : memref<257x128xf32, #tpu.memory_space<vmem>>) target(%dma_start3A_246 : memref<257x128xf32, #tpu.memory_space<hbm>>) target_semaphore(%run_scoped3A_238 : memref<!tpu.dma_semaphore, #tpu.memory_space<semaphore_mem>>)
      %dma_wait3A_247 = arith.constant 0 : i32
      %dma_wait3A_248 = arith.constant 0 : i32
      %dma_wait3A_249 = tpu.memref_slice %arg5[%add3A, %dma_wait3A_247, %dma_wait3A_248] : memref<32x257x128xf32, #tpu.memory_space<hbm>> -> memref<1x257x128xf32, #tpu.memory_space<hbm>>
      %dma_wait3A_250 = tpu.memref_squeeze %dma_wait3A_249 : memref<1x257x128xf32, #tpu.memory_space<hbm>> -> memref<257x128xf32, #tpu.memory_space<hbm>>
      %dma_wait3A_251 = arith.constant 0 : i32
      %dma_wait3A_252 = arith.constant 0 : i32
      %dma_wait3A_253 = tpu.memref_slice %arg5[%add3A, %dma_wait3A_251, %dma_wait3A_252] : memref<32x257x128xf32, #tpu.memory_space<hbm>> -> memref<1x257x128xf32, #tpu.memory_space<hbm>>
      %dma_wait3A_254 = tpu.memref_squeeze %dma_wait3A_253 : memref<1x257x128xf32, #tpu.memory_space<hbm>> -> memref<257x128xf32, #tpu.memory_space<hbm>>
      tpu.wait_dma2 semaphore(%run_scoped3A_238 : memref<!tpu.dma_semaphore, #tpu.memory_space<semaphore_mem>>) src(%arg7 : memref<257x128xf32, #tpu.memory_space<vmem>>) dst(%dma_wait3A_254 : memref<257x128xf32, #tpu.memory_space<hbm>>)
      tpu.yield
    }) : () -> ()
    return
  }
}

module attributes {stable_mosaic.version = 14 : i64} {
  func.func @_tc_body(%arg0: i32, %arg1: memref<1x3x512x512xf32, #tpu.memory_space<vmem>>, %arg2: memref<768x128xf32, #tpu.memory_space<vmem>>, %arg3: memref<1024x128xf32, #tpu.memory_space<vmem>>, %arg4: memref<1x1024x128xf32, #tpu.memory_space<vmem>>, %arg5: memref<1x1x256xi32, #tpu.memory_space<vmem>>, %arg6: memref<1x1024xf32, #tpu.memory_space<vmem>>, %arg7: memref<1x1024xf32, #tpu.memory_space<vmem>>, %arg8: memref<1024x768xf32, #tpu.memory_space<vmem>>) attributes {dimension_semantics = [#tpu.dimension_semantics<parallel>], iteration_bounds = array<i64: 32>, scalar_prefetch = 0 : i64, scratch_operands = 3 : i64, tpu.core_type = #tpu.core_type<tc>, window_params = [{transform_indices = @transform_0, window_bounds = array<i64: 1, 3, 512, 512>}, {pipeline_mode = #tpu.pipeline_mode<synchronous>, transform_indices = @transform_1, window_bounds = array<i64: 768, 128>}, {pipeline_mode = #tpu.pipeline_mode<synchronous>, transform_indices = @transform_2, window_bounds = array<i64: 1024, 128>}, {transform_indices = @transform_3, window_bounds = array<i64: 1, 1024, 128>}, {transform_indices = @transform_4, window_bounds = array<i64: 1, 1, 256>}]} {
    %get3A = arith.constant 0 : index
    %get3A_0 = arith.constant 0 : index
    %get3A_1 = arith.constant 0 : index
    %get3A_2 = arith.constant 0 : index
    %get3A_3 = vector.load %arg1[%get3A, %get3A_0, %get3A_1, %get3A_2] : memref<1x3x512x512xf32, #tpu.memory_space<vmem>>, vector<1x3x16x512xf32>
    %get3A_4 = vector.shape_cast %get3A_3 : vector<1x3x16x512xf32> to vector<3x16x512xf32>
    %reshape3A = vector.shape_cast %get3A_4 : vector<3x16x512xf32> to vector<48x32x16xf32>
    %transpose3A = tpu.transpose %reshape3A, [1, 0, 2] : vector<48x32x16xf32> -> vector<32x48x16xf32>
    %reshape3A_5 = vector.shape_cast %transpose3A : vector<32x48x16xf32> to vector<32x768xf32>
    %swap3A = arith.constant 0 : index
    %swap3A_6 = arith.constant 0 : index
    %swap3A_7 = vector.load %arg8[%swap3A, %swap3A_6] : memref<1024x768xf32, #tpu.memory_space<vmem>>, vector<32x768xf32>
    tpu.vector_store %arg8[%swap3A, %swap3A_6], %reshape3A_5 {strides = array<i32>} : memref<1024x768xf32, #tpu.memory_space<vmem>>, vector<32x768xf32>,
    %get3A_8 = arith.constant 0 : index
    %get3A_9 = arith.constant 0 : index
    %get3A_10 = arith.constant 16 : index
    %get3A_11 = arith.constant 0 : index
    %get3A_12 = vector.load %arg1[%get3A_8, %get3A_9, %get3A_10, %get3A_11] : memref<1x3x512x512xf32, #tpu.memory_space<vmem>>, vector<1x3x16x512xf32>
    %get3A_13 = vector.shape_cast %get3A_12 : vector<1x3x16x512xf32> to vector<3x16x512xf32>
    %reshape3A_14 = vector.shape_cast %get3A_13 : vector<3x16x512xf32> to vector<48x32x16xf32>
    %transpose3A_15 = tpu.transpose %reshape3A_14, [1, 0, 2] : vector<48x32x16xf32> -> vector<32x48x16xf32>
    %reshape3A_16 = vector.shape_cast %transpose3A_15 : vector<32x48x16xf32> to vector<32x768xf32>
    %swap3A_17 = arith.constant 32 : index
    %swap3A_18 = arith.constant 0 : index
    %swap3A_19 = vector.load %arg8[%swap3A_17, %swap3A_18] : memref<1024x768xf32, #tpu.memory_space<vmem>>, vector<32x768xf32>
    tpu.vector_store %arg8[%swap3A_17, %swap3A_18], %reshape3A_16 {strides = array<i32>} : memref<1024x768xf32, #tpu.memory_space<vmem>>, vector<32x768xf32>,
    %get3A_20 = arith.constant 0 : index
    %get3A_21 = arith.constant 0 : index
    %get3A_22 = arith.constant 32 : index
    %get3A_23 = arith.constant 0 : index
    %get3A_24 = vector.load %arg1[%get3A_20, %get3A_21, %get3A_22, %get3A_23] : memref<1x3x512x512xf32, #tpu.memory_space<vmem>>, vector<1x3x16x512xf32>
    %get3A_25 = vector.shape_cast %get3A_24 : vector<1x3x16x512xf32> to vector<3x16x512xf32>
    %reshape3A_26 = vector.shape_cast %get3A_25 : vector<3x16x512xf32> to vector<48x32x16xf32>
    %transpose3A_27 = tpu.transpose %reshape3A_26, [1, 0, 2] : vector<48x32x16xf32> -> vector<32x48x16xf32>
    %reshape3A_28 = vector.shape_cast %transpose3A_27 : vector<32x48x16xf32> to vector<32x768xf32>
    %swap3A_29 = arith.constant 64 : index
    %swap3A_30 = arith.constant 0 : index
    %swap3A_31 = vector.load %arg8[%swap3A_29, %swap3A_30] : memref<1024x768xf32, #tpu.memory_space<vmem>>, vector<32x768xf32>
    tpu.vector_store %arg8[%swap3A_29, %swap3A_30], %reshape3A_28 {strides = array<i32>} : memref<1024x768xf32, #tpu.memory_space<vmem>>, vector<32x768xf32>,
    %get3A_32 = arith.constant 0 : index
    %get3A_33 = arith.constant 0 : index
    %get3A_34 = arith.constant 48 : index
    %get3A_35 = arith.constant 0 : index
    %get3A_36 = vector.load %arg1[%get3A_32, %get3A_33, %get3A_34, %get3A_35] : memref<1x3x512x512xf32, #tpu.memory_space<vmem>>, vector<1x3x16x512xf32>
    %get3A_37 = vector.shape_cast %get3A_36 : vector<1x3x16x512xf32> to vector<3x16x512xf32>
    %reshape3A_38 = vector.shape_cast %get3A_37 : vector<3x16x512xf32> to vector<48x32x16xf32>
    %transpose3A_39 = tpu.transpose %reshape3A_38, [1, 0, 2] : vector<48x32x16xf32> -> vector<32x48x16xf32>
    %reshape3A_40 = vector.shape_cast %transpose3A_39 : vector<32x48x16xf32> to vector<32x768xf32>
    %swap3A_41 = arith.constant 96 : index
    %swap3A_42 = arith.constant 0 : index
    %swap3A_43 = vector.load %arg8[%swap3A_41, %swap3A_42] : memref<1024x768xf32, #tpu.memory_space<vmem>>, vector<32x768xf32>
    tpu.vector_store %arg8[%swap3A_41, %swap3A_42], %reshape3A_40 {strides = array<i32>} : memref<1024x768xf32, #tpu.memory_space<vmem>>, vector<32x768xf32>,
    %get3A_44 = arith.constant 0 : index
    %get3A_45 = arith.constant 0 : index
    %get3A_46 = arith.constant 64 : index
    %get3A_47 = arith.constant 0 : index
    %get3A_48 = vector.load %arg1[%get3A_44, %get3A_45, %get3A_46, %get3A_47] : memref<1x3x512x512xf32, #tpu.memory_space<vmem>>, vector<1x3x16x512xf32>
    %get3A_49 = vector.shape_cast %get3A_48 : vector<1x3x16x512xf32> to vector<3x16x512xf32>
    %reshape3A_50 = vector.shape_cast %get3A_49 : vector<3x16x512xf32> to vector<48x32x16xf32>
    %transpose3A_51 = tpu.transpose %reshape3A_50, [1, 0, 2] : vector<48x32x16xf32> -> vector<32x48x16xf32>
    %reshape3A_52 = vector.shape_cast %transpose3A_51 : vector<32x48x16xf32> to vector<32x768xf32>
    %swap3A_53 = arith.constant 128 : index
    %swap3A_54 = arith.constant 0 : index
    %swap3A_55 = vector.load %arg8[%swap3A_53, %swap3A_54] : memref<1024x768xf32, #tpu.memory_space<vmem>>, vector<32x768xf32>
    tpu.vector_store %arg8[%swap3A_53, %swap3A_54], %reshape3A_52 {strides = array<i32>} : memref<1024x768xf32, #tpu.memory_space<vmem>>, vector<32x768xf32>,
    %get3A_56 = arith.constant 0 : index
    %get3A_57 = arith.constant 0 : index
    %get3A_58 = arith.constant 80 : index
    %get3A_59 = arith.constant 0 : index
    %get3A_60 = vector.load %arg1[%get3A_56, %get3A_57, %get3A_58, %get3A_59] : memref<1x3x512x512xf32, #tpu.memory_space<vmem>>, vector<1x3x16x512xf32>
    %get3A_61 = vector.shape_cast %get3A_60 : vector<1x3x16x512xf32> to vector<3x16x512xf32>
    %reshape3A_62 = vector.shape_cast %get3A_61 : vector<3x16x512xf32> to vector<48x32x16xf32>
    %transpose3A_63 = tpu.transpose %reshape3A_62, [1, 0, 2] : vector<48x32x16xf32> -> vector<32x48x16xf32>
    %reshape3A_64 = vector.shape_cast %transpose3A_63 : vector<32x48x16xf32> to vector<32x768xf32>
    %swap3A_65 = arith.constant 160 : index
    %swap3A_66 = arith.constant 0 : index
    %swap3A_67 = vector.load %arg8[%swap3A_65, %swap3A_66] : memref<1024x768xf32, #tpu.memory_space<vmem>>, vector<32x768xf32>
    tpu.vector_store %arg8[%swap3A_65, %swap3A_66], %reshape3A_64 {strides = array<i32>} : memref<1024x768xf32, #tpu.memory_space<vmem>>, vector<32x768xf32>,
    %get3A_68 = arith.constant 0 : index
    %get3A_69 = arith.constant 0 : index
    %get3A_70 = arith.constant 96 : index
    %get3A_71 = arith.constant 0 : index
    %get3A_72 = vector.load %arg1[%get3A_68, %get3A_69, %get3A_70, %get3A_71] : memref<1x3x512x512xf32, #tpu.memory_space<vmem>>, vector<1x3x16x512xf32>
    %get3A_73 = vector.shape_cast %get3A_72 : vector<1x3x16x512xf32> to vector<3x16x512xf32>
    %reshape3A_74 = vector.shape_cast %get3A_73 : vector<3x16x512xf32> to vector<48x32x16xf32>
    %transpose3A_75 = tpu.transpose %reshape3A_74, [1, 0, 2] : vector<48x32x16xf32> -> vector<32x48x16xf32>
    %reshape3A_76 = vector.shape_cast %transpose3A_75 : vector<32x48x16xf32> to vector<32x768xf32>
    %swap3A_77 = arith.constant 192 : index
    %swap3A_78 = arith.constant 0 : index
    %swap3A_79 = vector.load %arg8[%swap3A_77, %swap3A_78] : memref<1024x768xf32, #tpu.memory_space<vmem>>, vector<32x768xf32>
    tpu.vector_store %arg8[%swap3A_77, %swap3A_78], %reshape3A_76 {strides = array<i32>} : memref<1024x768xf32, #tpu.memory_space<vmem>>, vector<32x768xf32>,
    %get3A_80 = arith.constant 0 : index
    %get3A_81 = arith.constant 0 : index
    %get3A_82 = arith.constant 112 : index
    %get3A_83 = arith.constant 0 : index
    %get3A_84 = vector.load %arg1[%get3A_80, %get3A_81, %get3A_82, %get3A_83] : memref<1x3x512x512xf32, #tpu.memory_space<vmem>>, vector<1x3x16x512xf32>
    %get3A_85 = vector.shape_cast %get3A_84 : vector<1x3x16x512xf32> to vector<3x16x512xf32>
    %reshape3A_86 = vector.shape_cast %get3A_85 : vector<3x16x512xf32> to vector<48x32x16xf32>
    %transpose3A_87 = tpu.transpose %reshape3A_86, [1, 0, 2] : vector<48x32x16xf32> -> vector<32x48x16xf32>
    %reshape3A_88 = vector.shape_cast %transpose3A_87 : vector<32x48x16xf32> to vector<32x768xf32>
    %swap3A_89 = arith.constant 224 : index
    %swap3A_90 = arith.constant 0 : index
    %swap3A_91 = vector.load %arg8[%swap3A_89, %swap3A_90] : memref<1024x768xf32, #tpu.memory_space<vmem>>, vector<32x768xf32>
    tpu.vector_store %arg8[%swap3A_89, %swap3A_90], %reshape3A_88 {strides = array<i32>} : memref<1024x768xf32, #tpu.memory_space<vmem>>, vector<32x768xf32>,
    %get3A_92 = arith.constant 0 : index
    %get3A_93 = arith.constant 0 : index
    %get3A_94 = arith.constant 128 : index
    %get3A_95 = arith.constant 0 : index
    %get3A_96 = vector.load %arg1[%get3A_92, %get3A_93, %get3A_94, %get3A_95] : memref<1x3x512x512xf32, #tpu.memory_space<vmem>>, vector<1x3x16x512xf32>
    %get3A_97 = vector.shape_cast %get3A_96 : vector<1x3x16x512xf32> to vector<3x16x512xf32>
    %reshape3A_98 = vector.shape_cast %get3A_97 : vector<3x16x512xf32> to vector<48x32x16xf32>
    %transpose3A_99 = tpu.transpose %reshape3A_98, [1, 0, 2] : vector<48x32x16xf32> -> vector<32x48x16xf32>
    %reshape3A_100 = vector.shape_cast %transpose3A_99 : vector<32x48x16xf32> to vector<32x768xf32>
    %swap3A_101 = arith.constant 256 : index
    %swap3A_102 = arith.constant 0 : index
    %swap3A_103 = vector.load %arg8[%swap3A_101, %swap3A_102] : memref<1024x768xf32, #tpu.memory_space<vmem>>, vector<32x768xf32>
    tpu.vector_store %arg8[%swap3A_101, %swap3A_102], %reshape3A_100 {strides = array<i32>} : memref<1024x768xf32, #tpu.memory_space<vmem>>, vector<32x768xf32>,
    %get3A_104 = arith.constant 0 : index
    %get3A_105 = arith.constant 0 : index
    %get3A_106 = arith.constant 144 : index
    %get3A_107 = arith.constant 0 : index
    %get3A_108 = vector.load %arg1[%get3A_104, %get3A_105, %get3A_106, %get3A_107] : memref<1x3x512x512xf32, #tpu.memory_space<vmem>>, vector<1x3x16x512xf32>
    %get3A_109 = vector.shape_cast %get3A_108 : vector<1x3x16x512xf32> to vector<3x16x512xf32>
    %reshape3A_110 = vector.shape_cast %get3A_109 : vector<3x16x512xf32> to vector<48x32x16xf32>
    %transpose3A_111 = tpu.transpose %reshape3A_110, [1, 0, 2] : vector<48x32x16xf32> -> vector<32x48x16xf32>
    %reshape3A_112 = vector.shape_cast %transpose3A_111 : vector<32x48x16xf32> to vector<32x768xf32>
    %swap3A_113 = arith.constant 288 : index
    %swap3A_114 = arith.constant 0 : index
    %swap3A_115 = vector.load %arg8[%swap3A_113, %swap3A_114] : memref<1024x768xf32, #tpu.memory_space<vmem>>, vector<32x768xf32>
    tpu.vector_store %arg8[%swap3A_113, %swap3A_114], %reshape3A_112 {strides = array<i32>} : memref<1024x768xf32, #tpu.memory_space<vmem>>, vector<32x768xf32>,
    %get3A_116 = arith.constant 0 : index
    %get3A_117 = arith.constant 0 : index
    %get3A_118 = arith.constant 160 : index
    %get3A_119 = arith.constant 0 : index
    %get3A_120 = vector.load %arg1[%get3A_116, %get3A_117, %get3A_118, %get3A_119] : memref<1x3x512x512xf32, #tpu.memory_space<vmem>>, vector<1x3x16x512xf32>
    %get3A_121 = vector.shape_cast %get3A_120 : vector<1x3x16x512xf32> to vector<3x16x512xf32>
    %reshape3A_122 = vector.shape_cast %get3A_121 : vector<3x16x512xf32> to vector<48x32x16xf32>
    %transpose3A_123 = tpu.transpose %reshape3A_122, [1, 0, 2] : vector<48x32x16xf32> -> vector<32x48x16xf32>
    %reshape3A_124 = vector.shape_cast %transpose3A_123 : vector<32x48x16xf32> to vector<32x768xf32>
    %swap3A_125 = arith.constant 320 : index
    %swap3A_126 = arith.constant 0 : index
    %swap3A_127 = vector.load %arg8[%swap3A_125, %swap3A_126] : memref<1024x768xf32, #tpu.memory_space<vmem>>, vector<32x768xf32>
    tpu.vector_store %arg8[%swap3A_125, %swap3A_126], %reshape3A_124 {strides = array<i32>} : memref<1024x768xf32, #tpu.memory_space<vmem>>, vector<32x768xf32>,
    %get3A_128 = arith.constant 0 : index
    %get3A_129 = arith.constant 0 : index
    %get3A_130 = arith.constant 176 : index
    %get3A_131 = arith.constant 0 : index
    %get3A_132 = vector.load %arg1[%get3A_128, %get3A_129, %get3A_130, %get3A_131] : memref<1x3x512x512xf32, #tpu.memory_space<vmem>>, vector<1x3x16x512xf32>
    %get3A_133 = vector.shape_cast %get3A_132 : vector<1x3x16x512xf32> to vector<3x16x512xf32>
    %reshape3A_134 = vector.shape_cast %get3A_133 : vector<3x16x512xf32> to vector<48x32x16xf32>
    %transpose3A_135 = tpu.transpose %reshape3A_134, [1, 0, 2] : vector<48x32x16xf32> -> vector<32x48x16xf32>
    %reshape3A_136 = vector.shape_cast %transpose3A_135 : vector<32x48x16xf32> to vector<32x768xf32>
    %swap3A_137 = arith.constant 352 : index
    %swap3A_138 = arith.constant 0 : index
    %swap3A_139 = vector.load %arg8[%swap3A_137, %swap3A_138] : memref<1024x768xf32, #tpu.memory_space<vmem>>, vector<32x768xf32>
    tpu.vector_store %arg8[%swap3A_137, %swap3A_138], %reshape3A_136 {strides = array<i32>} : memref<1024x768xf32, #tpu.memory_space<vmem>>, vector<32x768xf32>,
    %get3A_140 = arith.constant 0 : index
    %get3A_141 = arith.constant 0 : index
    %get3A_142 = arith.constant 192 : index
    %get3A_143 = arith.constant 0 : index
    %get3A_144 = vector.load %arg1[%get3A_140, %get3A_141, %get3A_142, %get3A_143] : memref<1x3x512x512xf32, #tpu.memory_space<vmem>>, vector<1x3x16x512xf32>
    %get3A_145 = vector.shape_cast %get3A_144 : vector<1x3x16x512xf32> to vector<3x16x512xf32>
    %reshape3A_146 = vector.shape_cast %get3A_145 : vector<3x16x512xf32> to vector<48x32x16xf32>
    %transpose3A_147 = tpu.transpose %reshape3A_146, [1, 0, 2] : vector<48x32x16xf32> -> vector<32x48x16xf32>
    %reshape3A_148 = vector.shape_cast %transpose3A_147 : vector<32x48x16xf32> to vector<32x768xf32>
    %swap3A_149 = arith.constant 384 : index
    %swap3A_150 = arith.constant 0 : index
    %swap3A_151 = vector.load %arg8[%swap3A_149, %swap3A_150] : memref<1024x768xf32, #tpu.memory_space<vmem>>, vector<32x768xf32>
    tpu.vector_store %arg8[%swap3A_149, %swap3A_150], %reshape3A_148 {strides = array<i32>} : memref<1024x768xf32, #tpu.memory_space<vmem>>, vector<32x768xf32>,
    %get3A_152 = arith.constant 0 : index
    %get3A_153 = arith.constant 0 : index
    %get3A_154 = arith.constant 208 : index
    %get3A_155 = arith.constant 0 : index
    %get3A_156 = vector.load %arg1[%get3A_152, %get3A_153, %get3A_154, %get3A_155] : memref<1x3x512x512xf32, #tpu.memory_space<vmem>>, vector<1x3x16x512xf32>
    %get3A_157 = vector.shape_cast %get3A_156 : vector<1x3x16x512xf32> to vector<3x16x512xf32>
    %reshape3A_158 = vector.shape_cast %get3A_157 : vector<3x16x512xf32> to vector<48x32x16xf32>
    %transpose3A_159 = tpu.transpose %reshape3A_158, [1, 0, 2] : vector<48x32x16xf32> -> vector<32x48x16xf32>
    %reshape3A_160 = vector.shape_cast %transpose3A_159 : vector<32x48x16xf32> to vector<32x768xf32>
    %swap3A_161 = arith.constant 416 : index
    %swap3A_162 = arith.constant 0 : index
    %swap3A_163 = vector.load %arg8[%swap3A_161, %swap3A_162] : memref<1024x768xf32, #tpu.memory_space<vmem>>, vector<32x768xf32>
    tpu.vector_store %arg8[%swap3A_161, %swap3A_162], %reshape3A_160 {strides = array<i32>} : memref<1024x768xf32, #tpu.memory_space<vmem>>, vector<32x768xf32>,
    %get3A_164 = arith.constant 0 : index
    %get3A_165 = arith.constant 0 : index
    %get3A_166 = arith.constant 224 : index
    %get3A_167 = arith.constant 0 : index
    %get3A_168 = vector.load %arg1[%get3A_164, %get3A_165, %get3A_166, %get3A_167] : memref<1x3x512x512xf32, #tpu.memory_space<vmem>>, vector<1x3x16x512xf32>
    %get3A_169 = vector.shape_cast %get3A_168 : vector<1x3x16x512xf32> to vector<3x16x512xf32>
    %reshape3A_170 = vector.shape_cast %get3A_169 : vector<3x16x512xf32> to vector<48x32x16xf32>
    %transpose3A_171 = tpu.transpose %reshape3A_170, [1, 0, 2] : vector<48x32x16xf32> -> vector<32x48x16xf32>
    %reshape3A_172 = vector.shape_cast %transpose3A_171 : vector<32x48x16xf32> to vector<32x768xf32>
    %swap3A_173 = arith.constant 448 : index
    %swap3A_174 = arith.constant 0 : index
    %swap3A_175 = vector.load %arg8[%swap3A_173, %swap3A_174] : memref<1024x768xf32, #tpu.memory_space<vmem>>, vector<32x768xf32>
    tpu.vector_store %arg8[%swap3A_173, %swap3A_174], %reshape3A_172 {strides = array<i32>} : memref<1024x768xf32, #tpu.memory_space<vmem>>, vector<32x768xf32>,
    %get3A_176 = arith.constant 0 : index
    %get3A_177 = arith.constant 0 : index
    %get3A_178 = arith.constant 240 : index
    %get3A_179 = arith.constant 0 : index
    %get3A_180 = vector.load %arg1[%get3A_176, %get3A_177, %get3A_178, %get3A_179] : memref<1x3x512x512xf32, #tpu.memory_space<vmem>>, vector<1x3x16x512xf32>
    %get3A_181 = vector.shape_cast %get3A_180 : vector<1x3x16x512xf32> to vector<3x16x512xf32>
    %reshape3A_182 = vector.shape_cast %get3A_181 : vector<3x16x512xf32> to vector<48x32x16xf32>
    %transpose3A_183 = tpu.transpose %reshape3A_182, [1, 0, 2] : vector<48x32x16xf32> -> vector<32x48x16xf32>
    %reshape3A_184 = vector.shape_cast %transpose3A_183 : vector<32x48x16xf32> to vector<32x768xf32>
    %swap3A_185 = arith.constant 480 : index
    %swap3A_186 = arith.constant 0 : index
    %swap3A_187 = vector.load %arg8[%swap3A_185, %swap3A_186] : memref<1024x768xf32, #tpu.memory_space<vmem>>, vector<32x768xf32>
    tpu.vector_store %arg8[%swap3A_185, %swap3A_186], %reshape3A_184 {strides = array<i32>} : memref<1024x768xf32, #tpu.memory_space<vmem>>, vector<32x768xf32>,
    %get3A_188 = arith.constant 0 : index
    %get3A_189 = arith.constant 0 : index
    %get3A_190 = arith.constant 256 : index
    %get3A_191 = arith.constant 0 : index
    %get3A_192 = vector.load %arg1[%get3A_188, %get3A_189, %get3A_190, %get3A_191] : memref<1x3x512x512xf32, #tpu.memory_space<vmem>>, vector<1x3x16x512xf32>
    %get3A_193 = vector.shape_cast %get3A_192 : vector<1x3x16x512xf32> to vector<3x16x512xf32>
    %reshape3A_194 = vector.shape_cast %get3A_193 : vector<3x16x512xf32> to vector<48x32x16xf32>
    %transpose3A_195 = tpu.transpose %reshape3A_194, [1, 0, 2] : vector<48x32x16xf32> -> vector<32x48x16xf32>
    %reshape3A_196 = vector.shape_cast %transpose3A_195 : vector<32x48x16xf32> to vector<32x768xf32>
    %swap3A_197 = arith.constant 512 : index
    %swap3A_198 = arith.constant 0 : index
    %swap3A_199 = vector.load %arg8[%swap3A_197, %swap3A_198] : memref<1024x768xf32, #tpu.memory_space<vmem>>, vector<32x768xf32>
    tpu.vector_store %arg8[%swap3A_197, %swap3A_198], %reshape3A_196 {strides = array<i32>} : memref<1024x768xf32, #tpu.memory_space<vmem>>, vector<32x768xf32>,
    %get3A_200 = arith.constant 0 : index
    %get3A_201 = arith.constant 0 : index
    %get3A_202 = arith.constant 272 : index
    %get3A_203 = arith.constant 0 : index
    %get3A_204 = vector.load %arg1[%get3A_200, %get3A_201, %get3A_202, %get3A_203] : memref<1x3x512x512xf32, #tpu.memory_space<vmem>>, vector<1x3x16x512xf32>
    %get3A_205 = vector.shape_cast %get3A_204 : vector<1x3x16x512xf32> to vector<3x16x512xf32>
    %reshape3A_206 = vector.shape_cast %get3A_205 : vector<3x16x512xf32> to vector<48x32x16xf32>
    %transpose3A_207 = tpu.transpose %reshape3A_206, [1, 0, 2] : vector<48x32x16xf32> -> vector<32x48x16xf32>
    %reshape3A_208 = vector.shape_cast %transpose3A_207 : vector<32x48x16xf32> to vector<32x768xf32>
    %swap3A_209 = arith.constant 544 : index
    %swap3A_210 = arith.constant 0 : index
    %swap3A_211 = vector.load %arg8[%swap3A_209, %swap3A_210] : memref<1024x768xf32, #tpu.memory_space<vmem>>, vector<32x768xf32>
    tpu.vector_store %arg8[%swap3A_209, %swap3A_210], %reshape3A_208 {strides = array<i32>} : memref<1024x768xf32, #tpu.memory_space<vmem>>, vector<32x768xf32>,
    %get3A_212 = arith.constant 0 : index
    %get3A_213 = arith.constant 0 : index
    %get3A_214 = arith.constant 288 : index
    %get3A_215 = arith.constant 0 : index
    %get3A_216 = vector.load %arg1[%get3A_212, %get3A_213, %get3A_214, %get3A_215] : memref<1x3x512x512xf32, #tpu.memory_space<vmem>>, vector<1x3x16x512xf32>
    %get3A_217 = vector.shape_cast %get3A_216 : vector<1x3x16x512xf32> to vector<3x16x512xf32>
    %reshape3A_218 = vector.shape_cast %get3A_217 : vector<3x16x512xf32> to vector<48x32x16xf32>
    %transpose3A_219 = tpu.transpose %reshape3A_218, [1, 0, 2] : vector<48x32x16xf32> -> vector<32x48x16xf32>
    %reshape3A_220 = vector.shape_cast %transpose3A_219 : vector<32x48x16xf32> to vector<32x768xf32>
    %swap3A_221 = arith.constant 576 : index
    %swap3A_222 = arith.constant 0 : index
    %swap3A_223 = vector.load %arg8[%swap3A_221, %swap3A_222] : memref<1024x768xf32, #tpu.memory_space<vmem>>, vector<32x768xf32>
    tpu.vector_store %arg8[%swap3A_221, %swap3A_222], %reshape3A_220 {strides = array<i32>} : memref<1024x768xf32, #tpu.memory_space<vmem>>, vector<32x768xf32>,
    %get3A_224 = arith.constant 0 : index
    %get3A_225 = arith.constant 0 : index
    %get3A_226 = arith.constant 304 : index
    %get3A_227 = arith.constant 0 : index
    %get3A_228 = vector.load %arg1[%get3A_224, %get3A_225, %get3A_226, %get3A_227] : memref<1x3x512x512xf32, #tpu.memory_space<vmem>>, vector<1x3x16x512xf32>
    %get3A_229 = vector.shape_cast %get3A_228 : vector<1x3x16x512xf32> to vector<3x16x512xf32>
    %reshape3A_230 = vector.shape_cast %get3A_229 : vector<3x16x512xf32> to vector<48x32x16xf32>
    %transpose3A_231 = tpu.transpose %reshape3A_230, [1, 0, 2] : vector<48x32x16xf32> -> vector<32x48x16xf32>
    %reshape3A_232 = vector.shape_cast %transpose3A_231 : vector<32x48x16xf32> to vector<32x768xf32>
    %swap3A_233 = arith.constant 608 : index
    %swap3A_234 = arith.constant 0 : index
    %swap3A_235 = vector.load %arg8[%swap3A_233, %swap3A_234] : memref<1024x768xf32, #tpu.memory_space<vmem>>, vector<32x768xf32>
    tpu.vector_store %arg8[%swap3A_233, %swap3A_234], %reshape3A_232 {strides = array<i32>} : memref<1024x768xf32, #tpu.memory_space<vmem>>, vector<32x768xf32>,
    %get3A_236 = arith.constant 0 : index
    %get3A_237 = arith.constant 0 : index
    %get3A_238 = arith.constant 320 : index
    %get3A_239 = arith.constant 0 : index
    %get3A_240 = vector.load %arg1[%get3A_236, %get3A_237, %get3A_238, %get3A_239] : memref<1x3x512x512xf32, #tpu.memory_space<vmem>>, vector<1x3x16x512xf32>
    %get3A_241 = vector.shape_cast %get3A_240 : vector<1x3x16x512xf32> to vector<3x16x512xf32>
    %reshape3A_242 = vector.shape_cast %get3A_241 : vector<3x16x512xf32> to vector<48x32x16xf32>
    %transpose3A_243 = tpu.transpose %reshape3A_242, [1, 0, 2] : vector<48x32x16xf32> -> vector<32x48x16xf32>
    %reshape3A_244 = vector.shape_cast %transpose3A_243 : vector<32x48x16xf32> to vector<32x768xf32>
    %swap3A_245 = arith.constant 640 : index
    %swap3A_246 = arith.constant 0 : index
    %swap3A_247 = vector.load %arg8[%swap3A_245, %swap3A_246] : memref<1024x768xf32, #tpu.memory_space<vmem>>, vector<32x768xf32>
    tpu.vector_store %arg8[%swap3A_245, %swap3A_246], %reshape3A_244 {strides = array<i32>} : memref<1024x768xf32, #tpu.memory_space<vmem>>, vector<32x768xf32>,
    %get3A_248 = arith.constant 0 : index
    %get3A_249 = arith.constant 0 : index
    %get3A_250 = arith.constant 336 : index
    %get3A_251 = arith.constant 0 : index
    %get3A_252 = vector.load %arg1[%get3A_248, %get3A_249, %get3A_250, %get3A_251] : memref<1x3x512x512xf32, #tpu.memory_space<vmem>>, vector<1x3x16x512xf32>
    %get3A_253 = vector.shape_cast %get3A_252 : vector<1x3x16x512xf32> to vector<3x16x512xf32>
    %reshape3A_254 = vector.shape_cast %get3A_253 : vector<3x16x512xf32> to vector<48x32x16xf32>
    %transpose3A_255 = tpu.transpose %reshape3A_254, [1, 0, 2] : vector<48x32x16xf32> -> vector<32x48x16xf32>
    %reshape3A_256 = vector.shape_cast %transpose3A_255 : vector<32x48x16xf32> to vector<32x768xf32>
    %swap3A_257 = arith.constant 672 : index
    %swap3A_258 = arith.constant 0 : index
    %swap3A_259 = vector.load %arg8[%swap3A_257, %swap3A_258] : memref<1024x768xf32, #tpu.memory_space<vmem>>, vector<32x768xf32>
    tpu.vector_store %arg8[%swap3A_257, %swap3A_258], %reshape3A_256 {strides = array<i32>} : memref<1024x768xf32, #tpu.memory_space<vmem>>, vector<32x768xf32>,
    %get3A_260 = arith.constant 0 : index
    %get3A_261 = arith.constant 0 : index
    %get3A_262 = arith.constant 352 : index
    %get3A_263 = arith.constant 0 : index
    %get3A_264 = vector.load %arg1[%get3A_260, %get3A_261, %get3A_262, %get3A_263] : memref<1x3x512x512xf32, #tpu.memory_space<vmem>>, vector<1x3x16x512xf32>
    %get3A_265 = vector.shape_cast %get3A_264 : vector<1x3x16x512xf32> to vector<3x16x512xf32>
    %reshape3A_266 = vector.shape_cast %get3A_265 : vector<3x16x512xf32> to vector<48x32x16xf32>
    %transpose3A_267 = tpu.transpose %reshape3A_266, [1, 0, 2] : vector<48x32x16xf32> -> vector<32x48x16xf32>
    %reshape3A_268 = vector.shape_cast %transpose3A_267 : vector<32x48x16xf32> to vector<32x768xf32>
    %swap3A_269 = arith.constant 704 : index
    %swap3A_270 = arith.constant 0 : index
    %swap3A_271 = vector.load %arg8[%swap3A_269, %swap3A_270] : memref<1024x768xf32, #tpu.memory_space<vmem>>, vector<32x768xf32>
    tpu.vector_store %arg8[%swap3A_269, %swap3A_270], %reshape3A_268 {strides = array<i32>} : memref<1024x768xf32, #tpu.memory_space<vmem>>, vector<32x768xf32>,
    %get3A_272 = arith.constant 0 : index
    %get3A_273 = arith.constant 0 : index
    %get3A_274 = arith.constant 368 : index
    %get3A_275 = arith.constant 0 : index
    %get3A_276 = vector.load %arg1[%get3A_272, %get3A_273, %get3A_274, %get3A_275] : memref<1x3x512x512xf32, #tpu.memory_space<vmem>>, vector<1x3x16x512xf32>
    %get3A_277 = vector.shape_cast %get3A_276 : vector<1x3x16x512xf32> to vector<3x16x512xf32>
    %reshape3A_278 = vector.shape_cast %get3A_277 : vector<3x16x512xf32> to vector<48x32x16xf32>
    %transpose3A_279 = tpu.transpose %reshape3A_278, [1, 0, 2] : vector<48x32x16xf32> -> vector<32x48x16xf32>
    %reshape3A_280 = vector.shape_cast %transpose3A_279 : vector<32x48x16xf32> to vector<32x768xf32>
    %swap3A_281 = arith.constant 736 : index
    %swap3A_282 = arith.constant 0 : index
    %swap3A_283 = vector.load %arg8[%swap3A_281, %swap3A_282] : memref<1024x768xf32, #tpu.memory_space<vmem>>, vector<32x768xf32>
    tpu.vector_store %arg8[%swap3A_281, %swap3A_282], %reshape3A_280 {strides = array<i32>} : memref<1024x768xf32, #tpu.memory_space<vmem>>, vector<32x768xf32>,
    %get3A_284 = arith.constant 0 : index
    %get3A_285 = arith.constant 0 : index
    %get3A_286 = arith.constant 384 : index
    %get3A_287 = arith.constant 0 : index
    %get3A_288 = vector.load %arg1[%get3A_284, %get3A_285, %get3A_286, %get3A_287] : memref<1x3x512x512xf32, #tpu.memory_space<vmem>>, vector<1x3x16x512xf32>
    %get3A_289 = vector.shape_cast %get3A_288 : vector<1x3x16x512xf32> to vector<3x16x512xf32>
    %reshape3A_290 = vector.shape_cast %get3A_289 : vector<3x16x512xf32> to vector<48x32x16xf32>
    %transpose3A_291 = tpu.transpose %reshape3A_290, [1, 0, 2] : vector<48x32x16xf32> -> vector<32x48x16xf32>
    %reshape3A_292 = vector.shape_cast %transpose3A_291 : vector<32x48x16xf32> to vector<32x768xf32>
    %swap3A_293 = arith.constant 768 : index
    %swap3A_294 = arith.constant 0 : index
    %swap3A_295 = vector.load %arg8[%swap3A_293, %swap3A_294] : memref<1024x768xf32, #tpu.memory_space<vmem>>, vector<32x768xf32>
    tpu.vector_store %arg8[%swap3A_293, %swap3A_294], %reshape3A_292 {strides = array<i32>} : memref<1024x768xf32, #tpu.memory_space<vmem>>, vector<32x768xf32>,
    %get3A_296 = arith.constant 0 : index
    %get3A_297 = arith.constant 0 : index
    %get3A_298 = arith.constant 400 : index
    %get3A_299 = arith.constant 0 : index
    %get3A_300 = vector.load %arg1[%get3A_296, %get3A_297, %get3A_298, %get3A_299] : memref<1x3x512x512xf32, #tpu.memory_space<vmem>>, vector<1x3x16x512xf32>
    %get3A_301 = vector.shape_cast %get3A_300 : vector<1x3x16x512xf32> to vector<3x16x512xf32>
    %reshape3A_302 = vector.shape_cast %get3A_301 : vector<3x16x512xf32> to vector<48x32x16xf32>
    %transpose3A_303 = tpu.transpose %reshape3A_302, [1, 0, 2] : vector<48x32x16xf32> -> vector<32x48x16xf32>
    %reshape3A_304 = vector.shape_cast %transpose3A_303 : vector<32x48x16xf32> to vector<32x768xf32>
    %swap3A_305 = arith.constant 800 : index
    %swap3A_306 = arith.constant 0 : index
    %swap3A_307 = vector.load %arg8[%swap3A_305, %swap3A_306] : memref<1024x768xf32, #tpu.memory_space<vmem>>, vector<32x768xf32>
    tpu.vector_store %arg8[%swap3A_305, %swap3A_306], %reshape3A_304 {strides = array<i32>} : memref<1024x768xf32, #tpu.memory_space<vmem>>, vector<32x768xf32>,
    %get3A_308 = arith.constant 0 : index
    %get3A_309 = arith.constant 0 : index
    %get3A_310 = arith.constant 416 : index
    %get3A_311 = arith.constant 0 : index
    %get3A_312 = vector.load %arg1[%get3A_308, %get3A_309, %get3A_310, %get3A_311] : memref<1x3x512x512xf32, #tpu.memory_space<vmem>>, vector<1x3x16x512xf32>
    %get3A_313 = vector.shape_cast %get3A_312 : vector<1x3x16x512xf32> to vector<3x16x512xf32>
    %reshape3A_314 = vector.shape_cast %get3A_313 : vector<3x16x512xf32> to vector<48x32x16xf32>
    %transpose3A_315 = tpu.transpose %reshape3A_314, [1, 0, 2] : vector<48x32x16xf32> -> vector<32x48x16xf32>
    %reshape3A_316 = vector.shape_cast %transpose3A_315 : vector<32x48x16xf32> to vector<32x768xf32>
    %swap3A_317 = arith.constant 832 : index
    %swap3A_318 = arith.constant 0 : index
    %swap3A_319 = vector.load %arg8[%swap3A_317, %swap3A_318] : memref<1024x768xf32, #tpu.memory_space<vmem>>, vector<32x768xf32>
    tpu.vector_store %arg8[%swap3A_317, %swap3A_318], %reshape3A_316 {strides = array<i32>} : memref<1024x768xf32, #tpu.memory_space<vmem>>, vector<32x768xf32>,
    %get3A_320 = arith.constant 0 : index
    %get3A_321 = arith.constant 0 : index
    %get3A_322 = arith.constant 432 : index
    %get3A_323 = arith.constant 0 : index
    %get3A_324 = vector.load %arg1[%get3A_320, %get3A_321, %get3A_322, %get3A_323] : memref<1x3x512x512xf32, #tpu.memory_space<vmem>>, vector<1x3x16x512xf32>
    %get3A_325 = vector.shape_cast %get3A_324 : vector<1x3x16x512xf32> to vector<3x16x512xf32>
    %reshape3A_326 = vector.shape_cast %get3A_325 : vector<3x16x512xf32> to vector<48x32x16xf32>
    %transpose3A_327 = tpu.transpose %reshape3A_326, [1, 0, 2] : vector<48x32x16xf32> -> vector<32x48x16xf32>
    %reshape3A_328 = vector.shape_cast %transpose3A_327 : vector<32x48x16xf32> to vector<32x768xf32>
    %swap3A_329 = arith.constant 864 : index
    %swap3A_330 = arith.constant 0 : index
    %swap3A_331 = vector.load %arg8[%swap3A_329, %swap3A_330] : memref<1024x768xf32, #tpu.memory_space<vmem>>, vector<32x768xf32>
    tpu.vector_store %arg8[%swap3A_329, %swap3A_330], %reshape3A_328 {strides = array<i32>} : memref<1024x768xf32, #tpu.memory_space<vmem>>, vector<32x768xf32>,
    %get3A_332 = arith.constant 0 : index
    %get3A_333 = arith.constant 0 : index
    %get3A_334 = arith.constant 448 : index
    %get3A_335 = arith.constant 0 : index
    %get3A_336 = vector.load %arg1[%get3A_332, %get3A_333, %get3A_334, %get3A_335] : memref<1x3x512x512xf32, #tpu.memory_space<vmem>>, vector<1x3x16x512xf32>
    %get3A_337 = vector.shape_cast %get3A_336 : vector<1x3x16x512xf32> to vector<3x16x512xf32>
    %reshape3A_338 = vector.shape_cast %get3A_337 : vector<3x16x512xf32> to vector<48x32x16xf32>
    %transpose3A_339 = tpu.transpose %reshape3A_338, [1, 0, 2] : vector<48x32x16xf32> -> vector<32x48x16xf32>
    %reshape3A_340 = vector.shape_cast %transpose3A_339 : vector<32x48x16xf32> to vector<32x768xf32>
    %swap3A_341 = arith.constant 896 : index
    %swap3A_342 = arith.constant 0 : index
    %swap3A_343 = vector.load %arg8[%swap3A_341, %swap3A_342] : memref<1024x768xf32, #tpu.memory_space<vmem>>, vector<32x768xf32>
    tpu.vector_store %arg8[%swap3A_341, %swap3A_342], %reshape3A_340 {strides = array<i32>} : memref<1024x768xf32, #tpu.memory_space<vmem>>, vector<32x768xf32>,
    %get3A_344 = arith.constant 0 : index
    %get3A_345 = arith.constant 0 : index
    %get3A_346 = arith.constant 464 : index
    %get3A_347 = arith.constant 0 : index
    %get3A_348 = vector.load %arg1[%get3A_344, %get3A_345, %get3A_346, %get3A_347] : memref<1x3x512x512xf32, #tpu.memory_space<vmem>>, vector<1x3x16x512xf32>
    %get3A_349 = vector.shape_cast %get3A_348 : vector<1x3x16x512xf32> to vector<3x16x512xf32>
    %reshape3A_350 = vector.shape_cast %get3A_349 : vector<3x16x512xf32> to vector<48x32x16xf32>
    %transpose3A_351 = tpu.transpose %reshape3A_350, [1, 0, 2] : vector<48x32x16xf32> -> vector<32x48x16xf32>
    %reshape3A_352 = vector.shape_cast %transpose3A_351 : vector<32x48x16xf32> to vector<32x768xf32>
    %swap3A_353 = arith.constant 928 : index
    %swap3A_354 = arith.constant 0 : index
    %swap3A_355 = vector.load %arg8[%swap3A_353, %swap3A_354] : memref<1024x768xf32, #tpu.memory_space<vmem>>, vector<32x768xf32>
    tpu.vector_store %arg8[%swap3A_353, %swap3A_354], %reshape3A_352 {strides = array<i32>} : memref<1024x768xf32, #tpu.memory_space<vmem>>, vector<32x768xf32>,
    %get3A_356 = arith.constant 0 : index
    %get3A_357 = arith.constant 0 : index
    %get3A_358 = arith.constant 480 : index
    %get3A_359 = arith.constant 0 : index
    %get3A_360 = vector.load %arg1[%get3A_356, %get3A_357, %get3A_358, %get3A_359] : memref<1x3x512x512xf32, #tpu.memory_space<vmem>>, vector<1x3x16x512xf32>
    %get3A_361 = vector.shape_cast %get3A_360 : vector<1x3x16x512xf32> to vector<3x16x512xf32>
    %reshape3A_362 = vector.shape_cast %get3A_361 : vector<3x16x512xf32> to vector<48x32x16xf32>
    %transpose3A_363 = tpu.transpose %reshape3A_362, [1, 0, 2] : vector<48x32x16xf32> -> vector<32x48x16xf32>
    %reshape3A_364 = vector.shape_cast %transpose3A_363 : vector<32x48x16xf32> to vector<32x768xf32>
    %swap3A_365 = arith.constant 960 : index
    %swap3A_366 = arith.constant 0 : index
    %swap3A_367 = vector.load %arg8[%swap3A_365, %swap3A_366] : memref<1024x768xf32, #tpu.memory_space<vmem>>, vector<32x768xf32>
    tpu.vector_store %arg8[%swap3A_365, %swap3A_366], %reshape3A_364 {strides = array<i32>} : memref<1024x768xf32, #tpu.memory_space<vmem>>, vector<32x768xf32>,
    %get3A_368 = arith.constant 0 : index
    %get3A_369 = arith.constant 0 : index
    %get3A_370 = arith.constant 496 : index
    %get3A_371 = arith.constant 0 : index
    %get3A_372 = vector.load %arg1[%get3A_368, %get3A_369, %get3A_370, %get3A_371] : memref<1x3x512x512xf32, #tpu.memory_space<vmem>>, vector<1x3x16x512xf32>
    %get3A_373 = vector.shape_cast %get3A_372 : vector<1x3x16x512xf32> to vector<3x16x512xf32>
    %reshape3A_374 = vector.shape_cast %get3A_373 : vector<3x16x512xf32> to vector<48x32x16xf32>
    %transpose3A_375 = tpu.transpose %reshape3A_374, [1, 0, 2] : vector<48x32x16xf32> -> vector<32x48x16xf32>
    %reshape3A_376 = vector.shape_cast %transpose3A_375 : vector<32x48x16xf32> to vector<32x768xf32>
    %swap3A_377 = arith.constant 992 : index
    %swap3A_378 = arith.constant 0 : index
    %swap3A_379 = vector.load %arg8[%swap3A_377, %swap3A_378] : memref<1024x768xf32, #tpu.memory_space<vmem>>, vector<32x768xf32>
    tpu.vector_store %arg8[%swap3A_377, %swap3A_378], %reshape3A_376 {strides = array<i32>} : memref<1024x768xf32, #tpu.memory_space<vmem>>, vector<32x768xf32>,
    %get3A_380 = arith.constant 0 : index
    %get3A_381 = arith.constant 0 : index
    %get3A_382 = vector.load %arg8[%get3A_380, %get3A_381] : memref<1024x768xf32, #tpu.memory_space<vmem>>, vector<1024x768xf32>
    %get3A_383 = arith.constant 0 : index
    %get3A_384 = arith.constant 0 : index
    %get3A_385 = vector.load %arg2[%get3A_383, %get3A_384] : memref<768x128xf32, #tpu.memory_space<vmem>>, vector<768x128xf32>
    %dot_general3A = arith.constant dense<0.000000e+00> : vector<1024x128xf32>
    %dot_general3A_386 = tpu.matmul %get3A_382, %get3A_385, %dot_general3A {dimension_numbers = #tpu.dot_dimension_numbers<[1], [0], [0], [1], [0, 0, 1, 1], [], []>, transpose_lhs_hint = false} : vector<1024x768xf32>, vector<768x128xf32>, vector<1024x128xf32> -> vector<1024x128xf32>
    %get3A_387 = arith.constant 0 : index
    %get3A_388 = arith.constant 0 : index
    %get3A_389 = vector.load %arg3[%get3A_387, %get3A_388] : memref<1024x128xf32, #tpu.memory_space<vmem>>, vector<1024x128xf32>
    %add3A = arith.addf %dot_general3A_386, %get3A_389 : vector<1024x128xf32>
    %swap3A_390 = arith.constant 0 : index
    %swap3A_391 = arith.constant 0 : index
    %swap3A_392 = arith.constant 0 : index
    %swap3A_393 = vector.load %arg4[%swap3A_390, %swap3A_391, %swap3A_392] : memref<1x1024x128xf32, #tpu.memory_space<vmem>>, vector<1x1024x128xf32>
    %swap3A_394 = vector.shape_cast %swap3A_393 : vector<1x1024x128xf32> to vector<1024x128xf32>
    %swap3A_395 = vector.shape_cast %add3A : vector<1024x128xf32> to vector<1x1024x128xf32>
    tpu.vector_store %arg4[%swap3A_390, %swap3A_391, %swap3A_392], %swap3A_395 {strides = array<i32>} : memref<1x1024x128xf32, #tpu.memory_space<vmem>>, vector<1x1024x128xf32>,
    %reduce_sum3A = arith.constant dense<0.000000e+00> : vector<1024xf32>
    %reduce_sum3A_396 = vector.multi_reduction <add>, %get3A_382, %reduce_sum3A [1] : vector<1024x768xf32> to vector<1024xf32>
    %broadcast_in_dim3A = vector.shape_cast %reduce_sum3A_396 : vector<1024xf32> to vector<1024x1xf32>
    %div3A = arith.constant 7.680000e+02 : f32
    %div3A_397 = vector.broadcast %div3A : f32 to vector<1024x1xf32>
    %div3A_398 = arith.divf %broadcast_in_dim3A, %div3A_397 : vector<1024x1xf32>
    %sub3A = vector.broadcast %div3A_398 : vector<1024x1xf32> to vector<1024x768xf32>
    %sub3A_399 = arith.subf %get3A_382, %sub3A : vector<1024x768xf32>
    %mul3A = arith.mulf %sub3A_399, %sub3A_399 : vector<1024x768xf32>
    %reduce_sum3A_400 = arith.constant dense<0.000000e+00> : vector<1024xf32>
    %reduce_sum3A_401 = vector.multi_reduction <add>, %mul3A, %reduce_sum3A_400 [1] : vector<1024x768xf32> to vector<1024xf32>
    %mul3A_402 = arith.constant 0.00130208337 : f32
    %mul3A_403 = vector.broadcast %mul3A_402 : f32 to vector<1024xf32>
    %mul3A_404 = arith.mulf %reduce_sum3A_401, %mul3A_403 : vector<1024xf32>
    %swap3A_405 = arith.constant 0 : index
    %swap3A_406 = arith.constant 0 : index
    %swap3A_407 = vector.load %arg6[%swap3A_405, %swap3A_406] : memref<1x1024xf32, #tpu.memory_space<vmem>>, vector<1x1024xf32>
    %swap3A_408 = vector.shape_cast %swap3A_407 : vector<1x1024xf32> to vector<1024xf32>
    %swap3A_409 = vector.shape_cast %mul3A_404 : vector<1024xf32> to vector<1x1024xf32>
    tpu.vector_store %arg6[%swap3A_405, %swap3A_406], %swap3A_409 {strides = array<i32>} : memref<1x1024xf32, #tpu.memory_space<vmem>>, vector<1x1024xf32>,
    %scan3A = arith.constant 0 : i32
    %scan3A_410 = arith.constant 4 : i32
    %scan3A_411 = arith.addi %scan3A, %scan3A_410 : i32
    %scan3A_412 = arith.constant 1 : i32
    scf.for %scan3A_432 = %scan3A to %scan3A_411 step %scan3A_412  : i32 {
      %mul3A_433 = arith.constant 256 : i32
      %mul3A_434 = arith.muli %scan3A_432, %mul3A_433 : i32
      %get3A_435 = arith.constant 0 : index
      %get3A_436 = arith.index_cast %mul3A_434 : i32 to index
      %get3A_437 = vector.load %arg6[%get3A_435, %get3A_436] : memref<1x1024xf32, #tpu.memory_space<vmem>>, vector<1x256xf32>
      %get3A_438 = vector.shape_cast %get3A_437 : vector<1x256xf32> to vector<256xf32>
      %broadcast_in_dim3A_439 = vector.shape_cast %get3A_438 : vector<256xf32> to vector<256x1xf32>
      %get3A_440 = arith.constant 0 : index
      %get3A_441 = arith.constant 0 : index
      %get3A_442 = vector.load %arg6[%get3A_440, %get3A_441] : memref<1x1024xf32, #tpu.memory_space<vmem>>, vector<1x1024xf32>
      %get3A_443 = vector.shape_cast %get3A_442 : vector<1x1024xf32> to vector<1024xf32>
      %broadcast_in_dim3A_444 = vector.shape_cast %get3A_443 : vector<1024xf32> to vector<1x1024xf32>
      %iota3A = tpu.iota {dimensions = array<i32: 1>} : vector<256x1024xi32>
      %iota3A_445 = tpu.iota {dimensions = array<i32: 0>} : vector<256x1024xi32>
      %mul3A_446 = arith.constant 256 : i32
      %mul3A_447 = arith.muli %scan3A_432, %mul3A_446 : i32
      %add3A_448 = vector.broadcast %mul3A_447 : i32 to vector<256x1024xi32>
      %add3A_449 = arith.addi %iota3A_445, %add3A_448 : vector<256x1024xi32>
      %lt3A = arith.cmpi slt, %iota3A, %add3A_449 : vector<256x1024xi32>
      %convert_element_type3A = arith.extui %lt3A : vector<256x1024xi1> to vector<256x1024xi32>
      %convert_element_type3A_450 = arith.sitofp %convert_element_type3A : vector<256x1024xi32> to vector<256x1024xf32>
      %gt3A = vector.broadcast %broadcast_in_dim3A_444 : vector<1x1024xf32> to vector<256x1024xf32>
      %gt3A_451 = vector.broadcast %broadcast_in_dim3A_439 : vector<256x1xf32> to vector<256x1024xf32>
      %gt3A_452 = arith.cmpf ogt, %gt3A, %gt3A_451 : vector<256x1024xf32>
      %convert_element_type3A_453 = arith.extui %gt3A_452 : vector<256x1024xi1> to vector<256x1024xi32>
      %convert_element_type3A_454 = arith.sitofp %convert_element_type3A_453 : vector<256x1024xi32> to vector<256x1024xf32>
      %eq3A = vector.broadcast %broadcast_in_dim3A_444 : vector<1x1024xf32> to vector<256x1024xf32>
      %eq3A_455 = vector.broadcast %broadcast_in_dim3A_439 : vector<256x1xf32> to vector<256x1024xf32>
      %eq3A_456 = arith.cmpf oeq, %eq3A, %eq3A_455 : vector<256x1024xf32>
      %convert_element_type3A_457 = arith.extui %eq3A_456 : vector<256x1024xi1> to vector<256x1024xi32>
      %convert_element_type3A_458 = arith.sitofp %convert_element_type3A_457 : vector<256x1024xi32> to vector<256x1024xf32>
      %mul3A_459 = arith.mulf %convert_element_type3A_458, %convert_element_type3A_450 : vector<256x1024xf32>
      %add3A_460 = arith.addf %convert_element_type3A_454, %mul3A_459 : vector<256x1024xf32>
      %reduce_sum3A_461 = arith.constant dense<0.000000e+00> : vector<256xf32>
      %reduce_sum3A_462 = vector.multi_reduction <add>, %add3A_460, %reduce_sum3A_461 [1] : vector<256x1024xf32> to vector<256xf32>
      %lt3A_463 = arith.constant 2.560000e+02 : f32
      %lt3A_464 = vector.broadcast %lt3A_463 : f32 to vector<256xf32>
      %lt3A_465 = arith.cmpf olt, %reduce_sum3A_462, %lt3A_464 : vector<256xf32>
      %convert_element_type3A_466 = arith.extui %lt3A_465 : vector<256xi1> to vector<256xi32>
      %convert_element_type3A_467 = arith.sitofp %convert_element_type3A_466 : vector<256xi32> to vector<256xf32>
      %mul3A_468 = arith.constant 256 : i32
      %mul3A_469 = arith.muli %scan3A_432, %mul3A_468 : i32
      %swap3A_470 = arith.constant 0 : index
      %swap3A_471 = arith.index_cast %mul3A_469 : i32 to index
      %swap3A_472 = vector.load %arg7[%swap3A_470, %swap3A_471] : memref<1x1024xf32, #tpu.memory_space<vmem>>, vector<1x256xf32>
      %swap3A_473 = vector.shape_cast %swap3A_472 : vector<1x256xf32> to vector<256xf32>
      %swap3A_474 = vector.shape_cast %convert_element_type3A_467 : vector<256xf32> to vector<1x256xf32>
      tpu.vector_store %arg7[%swap3A_470, %swap3A_471], %swap3A_474 {strides = array<i32>} : memref<1x1024xf32, #tpu.memory_space<vmem>>, vector<1x256xf32>,
    }
    %scan3A_413 = arith.constant 4 : i32
    %broadcast_in_dim3A_414 = arith.constant 0 : i32
    %broadcast_in_dim3A_415 = vector.broadcast %broadcast_in_dim3A_414 : i32 to vector<256xi32>
    %scan3A_416 = arith.constant 0 : i32
    %scan3A_417 = arith.constant 4 : i32
    %scan3A_418 = arith.addi %scan3A_416, %scan3A_417 : i32
    %scan3A_419 = arith.constant 1 : i32
    %scan3A_420 = scf.for %scan3A_432 = %scan3A_416 to %scan3A_418 step %scan3A_419 iter_args(%scan3A_433 = %broadcast_in_dim3A_415) -> (vector<256xi32>)  : i32 {
      %mul3A_434 = arith.constant 256 : i32
      %mul3A_435 = arith.muli %scan3A_432, %mul3A_434 : i32
      %get3A_436 = arith.constant 0 : index
      %get3A_437 = arith.index_cast %mul3A_435 : i32 to index
      %get3A_438 = vector.load %arg7[%get3A_436, %get3A_437] : memref<1x1024xf32, #tpu.memory_space<vmem>>, vector<1x256xf32>
      %get3A_439 = vector.shape_cast %get3A_438 : vector<1x256xf32> to vector<256xf32>
      %get3A_440 = arith.constant 0 : index
      %get3A_441 = arith.constant 0 : index
      %get3A_442 = vector.load %arg7[%get3A_440, %get3A_441] : memref<1x1024xf32, #tpu.memory_space<vmem>>, vector<1x1024xf32>
      %get3A_443 = vector.shape_cast %get3A_442 : vector<1x1024xf32> to vector<1024xf32>
      %broadcast_in_dim3A_444 = vector.shape_cast %get3A_443 : vector<1024xf32> to vector<1x1024xf32>
      %iota3A = tpu.iota {dimensions = array<i32: 1>} : vector<256x1024xi32>
      %iota3A_445 = tpu.iota {dimensions = array<i32: 0>} : vector<256x1024xi32>
      %mul3A_446 = arith.constant 256 : i32
      %mul3A_447 = arith.muli %scan3A_432, %mul3A_446 : i32
      %add3A_448 = vector.broadcast %mul3A_447 : i32 to vector<256x1024xi32>
      %add3A_449 = arith.addi %iota3A_445, %add3A_448 : vector<256x1024xi32>
      %lt3A = arith.cmpi slt, %iota3A, %add3A_449 : vector<256x1024xi32>
      %convert_element_type3A = arith.extui %lt3A : vector<256x1024xi1> to vector<256x1024xi32>
      %convert_element_type3A_450 = arith.sitofp %convert_element_type3A : vector<256x1024xi32> to vector<256x1024xf32>
      %mul3A_451 = vector.broadcast %broadcast_in_dim3A_444 : vector<1x1024xf32> to vector<256x1024xf32>
      %mul3A_452 = arith.mulf %mul3A_451, %convert_element_type3A_450 : vector<256x1024xf32>
      %reduce_sum3A_453 = arith.constant dense<0.000000e+00> : vector<256xf32>
      %reduce_sum3A_454 = vector.multi_reduction <add>, %mul3A_452, %reduce_sum3A_453 [1] : vector<256x1024xf32> to vector<256xf32>
      %iota3A_455 = tpu.iota {dimensions = array<i32: 1>} : vector<256x256xi32>
      %iota3A_456 = tpu.iota {dimensions = array<i32: 0>} : vector<256x256xi32>
      %mul3A_457 = arith.constant 256 : i32
      %mul3A_458 = arith.muli %scan3A_432, %mul3A_457 : i32
      %add3A_459 = vector.broadcast %mul3A_458 : i32 to vector<256x256xi32>
      %add3A_460 = arith.addi %iota3A_456, %add3A_459 : vector<256x256xi32>
      %convert_element_type3A_461 = arith.fptosi %reduce_sum3A_454 : vector<256xf32> to vector<256xi32>
      %broadcast_in_dim3A_462 = vector.shape_cast %convert_element_type3A_461 : vector<256xi32> to vector<256x1xi32>
      %eq3A = vector.broadcast %broadcast_in_dim3A_462 : vector<256x1xi32> to vector<256x256xi32>
      %eq3A_463 = arith.cmpi eq, %eq3A, %iota3A_455 : vector<256x256xi32>
      %broadcast_in_dim3A_464 = vector.shape_cast %get3A_439 : vector<256xf32> to vector<256x1xf32>
      %gt3A = arith.constant 0.000000e+00 : f32
      %gt3A_465 = vector.broadcast %gt3A : f32 to vector<256x1xf32>
      %gt3A_466 = arith.cmpf ogt, %broadcast_in_dim3A_464, %gt3A_465 : vector<256x1xf32>
      %and3A = vector.broadcast %gt3A_466 : vector<256x1xi1> to vector<256x256xi1>
      %and3A_467 = arith.andi %eq3A_463, %and3A : vector<256x256xi1>
      %jit3A = arith.constant 0 : i32
      %broadcast_in_dim3A_468 = vector.broadcast %jit3A : i32 to vector<256x256xi32>
      %select_n3A = arith.select %and3A_467, %add3A_460, %broadcast_in_dim3A_468 : vector<256x256xi1>, vector<256x256xi32>
      %reduce_sum3A_469 = arith.constant dense<0> : vector<256xi32>
      %reduce_sum3A_470 = vector.multi_reduction <add>, %select_n3A, %reduce_sum3A_469 [0] : vector<256x256xi32> to vector<256xi32>
      %add3A_471 = arith.addi %scan3A_433, %reduce_sum3A_470 : vector<256xi32>
      scf.yield %add3A_471 : vector<256xi32>
    }
    %scan3A_421 = arith.constant 4 : i32
    %mul3A_422 = arith.constant 1024 : i32
    %mul3A_423 = arith.muli %arg0, %mul3A_422 : i32
    %add3A_424 = vector.broadcast %mul3A_423 : i32 to vector<256xi32>
    %add3A_425 = arith.addi %scan3A_420, %add3A_424 : vector<256xi32>
    %swap3A_426 = arith.constant 0 : index
    %swap3A_427 = arith.constant 0 : index
    %swap3A_428 = arith.constant 0 : index
    %swap3A_429 = vector.load %arg5[%swap3A_426, %swap3A_427, %swap3A_428] : memref<1x1x256xi32, #tpu.memory_space<vmem>>, vector<1x1x256xi32>
    %swap3A_430 = vector.shape_cast %swap3A_429 : vector<1x1x256xi32> to vector<256xi32>
    %swap3A_431 = vector.shape_cast %add3A_425 : vector<256xi32> to vector<1x1x256xi32>
    tpu.vector_store %arg5[%swap3A_426, %swap3A_427, %swap3A_428], %swap3A_431 {strides = array<i32>} : memref<1x1x256xi32, #tpu.memory_space<vmem>>, vector<1x1x256xi32>,
    return
  }
  func.func @transform_0(%arg0: i32) -> (i32, i32, i32, i32) {
    %c0_i32 = arith.constant 0 : i32
    %c0_i32_0 = arith.constant 0 : i32
    %c0_i32_1 = arith.constant 0 : i32
    %c0_i32_2 = arith.constant 0 : i32
    return %arg0, %c0_i32, %c0_i32_0, %c0_i32_1 : i32, i32, i32, i32
  }
  func.func @transform_1(%arg0: i32) -> (i32, i32) {
    %c0_i32 = arith.constant 0 : i32
    %c0_i32_0 = arith.constant 0 : i32
    %c0_i32_1 = arith.constant 0 : i32
    return %c0_i32, %c0_i32_0 : i32, i32
  }
  func.func @transform_2(%arg0: i32) -> (i32, i32) {
    %c0_i32 = arith.constant 0 : i32
    %c0_i32_0 = arith.constant 0 : i32
    %c0_i32_1 = arith.constant 0 : i32
    return %c0_i32, %c0_i32_0 : i32, i32
  }
  func.func @transform_3(%arg0: i32) -> (i32, i32, i32) {
    %c0_i32 = arith.constant 0 : i32
    %c0_i32_0 = arith.constant 0 : i32
    %c0_i32_1 = arith.constant 0 : i32
    return %arg0, %c0_i32, %c0_i32_0 : i32, i32, i32
  }
  func.func @transform_4(%arg0: i32) -> (i32, i32, i32) {
    %c0_i32 = arith.constant 0 : i32
    %c0_i32_0 = arith.constant 0 : i32
    %c0_i32_1 = arith.constant 0 : i32
    return %arg0, %c0_i32, %c0_i32_0 : i32, i32, i32
  }
}

</mosaic_0001>

<sc_bundles>
// kernel: kernel.4.cloned.1.call-start
scs
__scs_entry_jumppad:
0x0: {  	(pc) =	sbr.rel $0x88, $3  }
0x1: {  	(tag) =	ssettag $0x0;
	lr =	simm.s32 $0x1  }
0x2: {  	[smem:$0x3F9C] =	sst lr;
	_ =	strace $0xD0000000  }
0x3: {  	_ = 	snop  }
0x4: {  	_ = 	snop  }
0x5: {  	_ = 	snop  }
0x6: {  	_ = 	snop  }
0x7: {  	_ = 	snop  }
__scs_overlays_trampoline_lowered:
0x8: {  	[smem:$0x3FAB] =	sst s0  }
0x9: {  	[smem:$0x3FAC] =	sst s1  }
0xa: {  	[smem:$0x3FAD] =	sst s2  }
0xb: {  	[smem:$0x3FAE] =	sst s3  }
0xc: {  	[smem:$0x3FAF] =	sst s4  }
0xd: {  	[smem:$0x3FB0] =	sst s5  }
0xe: {  	[smem:$0x3FB1] =	sst s6  }
0xf: {  	[smem:$0x3FB2] =	sst s7  }
0x10: {  	[smem:$0x3FB3] =	sst s8  }
0x11: {  	[smem:$0x3FB4] =	sst s9;
	s0 =	simm.s32 @!p0 $0x0  }
0x12: {  	s1 =	sld [smem:$0x3F9A];
	s0 =	simm.s32 @p0 $0x1  }
0x13: {  	[smem:$0x3FB5] =	sst s0;
	s0 =	simm.s32 @!p1 $0x0  }
0x14: {  	s2 =	sld [smem:$0x3F99];
	s0 =	simm.s32 @p1 $0x1  }
0x15: {  	[smem:$0x3FB6] =	sst s0;
	s0 =	simm.s32 @!p2 $0x0  }
0x16: {  	s3 =	sld [smem:$0x3FDB];
	s0 =	simm.s32 @p2 $0x1  }
0x17: {  	s4 =	simm.s32 $0x1BF5;
	[smem:$0x3FB8] =	sst s0  }
0x18: {  	s0 =	sld [smem:$0x3F9B];
	_ =	swait.ge [sflag:s4], $0x0  }
0x19: {  	s7 =	sld [smem:$0x3F9C]  }
0x1a: {  	s8 =	sadd.s32 $0xFFFFE003, lr  }
0x1b: {  	s9 =	sadd.s32 $0xFFFFFEF7, lr;
	s5 =	simm.s32 $0xFFFFFFFF;
	p2 =	slt.u32 s8, $0xFFFFF086  }
0x1c: {  	p1 =	slt.u32 s9, $0xF7A;
	s5 =	simm.s32 @!p2 $0x0  }
0x1d: {  	s5 =	simm.s32 @p1 $0x1;
	p0 =	seq.s32 s7, s2  }
0x1e: {  	s7 =	smul.u32 @!p0 $0xF7A, s2;
	p2 =	seq.s32 @!p0 s5, $0x0  }
0x1f: {  	s9 =	smul.u32 $0xF7A, s1;
	s8 =	simm.s32 @!p0 $0x1BF5;
	p2 =	por !p2, p0  }
0x20: {  	[sflag:s8] =	ssyncset.s32 @!p0 $0xFFFFF086;
	s6 =	sadd.s32 @!p0 s3, s7;
	s7 =	simm.s32 @!p0 $0x108  }
0x21: {  	s3 =	sadd.s32 s3, s9;
	s6 =	sadd.s32 @!p0 $0x88, s6;
	s7 =	simm.s32 @p2 $0x1082  }
0x22: {  	[simem:s7], [sflag:s8] =	dma.local @!p0 [hbm:s6], $0xF7A  }
0x23: {  	s9 =	sor.u32 $0xD0000000, s2;
	s6 =	simm.s32 $0x108;
	_ =	swait.ge @!p0 [sflag:s8], $0x0  }
0x24: {  	s3 =	sadd.s32 $0x88, s3;
	s6 =	simm.s32 @!p1 $0x1082;
	[sflag:s4] =	ssyncset.s32 $0xFFFFF086  }
0x25: {  	[simem:s6], [sflag:s4] =	dma.local [hbm:s3], $0xF7A  }
0x26: {  	[smem:$0x3F9C] =	sst s1;
	(tag) =	ssettag s2;
	_ =	strace s9  }
0x27: {  	s1 =	sld [smem:$0x3FAC]  }
0x28: {  	s2 =	sld [smem:$0x3FAD]  }
0x29: {  	s4 =	sld [smem:$0x3FAF]  }
0x2a: {  	p0 =	seq.s32 s5, $0x0;
	s5 =	sld [smem:$0x3FB0]  }
0x2b: {  	s6 =	sld [smem:$0x3FB1]  }
0x2c: {  	s7 =	sld [smem:$0x3FB2]  }
0x2d: {  	s3 =	simm.s32 $0x108;
	s8 =	sld [smem:$0x3FB3]  }
0x2e: {  	s3 =	simm.s32 @!p0 $0x1082;
	s9 =	sld [smem:$0x3FB4]  }
0x2f: {  	lr =	sadd.s32 s0, s3;
	s0 =	sld [smem:$0x3FAB]  }
0x30: {  	s3 =	sld [smem:$0x3FAE]  }
0x31: {  	[smem:$0x3FB7] =	sst s10  }
0x32: {  	s10 =	sld [smem:$0x3FB5];
	_ =	sdelay $0x3  }
0x33: {  	p0 =	seq.s32 s10, $0x1;
	s10 =	sld [smem:$0x3FB7];
	_ =	sdelay $0x3  }
0x34: {  	[smem:$0x3FB7] =	sst s10  }
0x35: {  	s10 =	sld [smem:$0x3FB6];
	_ =	sdelay $0x3  }
0x36: {  	p1 =	seq.s32 s10, $0x1;
	s10 =	sld [smem:$0x3FB7];
	_ =	sdelay $0x3  }
0x37: {  	[smem:$0x3FB7] =	sst s10  }
0x38: {  	s10 =	sld [smem:$0x3FB8]  }
0x39: {  	_ = 	snop;
	(pc) =	sbr.ind lr, $3  }
0x3a: {  	_ = 	snop  }
0x3b: {  	_ = 	snop  }
0x3c: {  	p2 =	seq.s32 s10, $0x1;
	s10 =	sld [smem:$0x3FB7]  }
0x3d: {  	_ =	shalt  }
0x3e: {  	_ =	shalt  }
0x3f: {  	_ =	shalt  }
0x40: {  	_ =	shalt  }
0x41: {  	_ =	shalt  }
0x42: {  	_ =	shalt  }
0x43: {  	_ =	shalt  }
0x44: {  	_ =	shalt  }
0x45: {  	_ =	shalt  }
0x46: {  	_ =	shalt  }
0x47: {  	_ =	shalt  }
0x48: {  	_ =	shalt  }
0x49: {  	_ =	shalt  }
0x4a: {  	_ =	shalt  }
0x4b: {  	_ =	shalt  }
0x4c: {  	_ =	shalt  }
0x4d: {  	_ =	shalt  }
0x4e: {  	_ =	shalt  }
0x4f: {  	_ =	shalt  }
0x50: {  	_ =	shalt  }
0x51: {  	_ =	shalt  }
0x52: {  	_ =	shalt  }
0x53: {  	_ =	shalt  }
0x54: {  	_ =	shalt  }
0x55: {  	_ =	shalt  }
0x56: {  	_ =	shalt  }
0x57: {  	_ =	shalt  }
0x58: {  	_ =	shalt  }
0x59: {  	_ =	shalt  }
0x5a: {  	_ =	shalt  }
0x5b: {  	_ =	shalt  }
0x5c: {  	_ =	shalt  }
0x5d: {  	_ =	shalt  }
0x5e: {  	_ =	shalt  }
0x5f: {  	_ =	shalt  }
0x60: {  	_ =	shalt  }
0x61: {  	_ =	shalt  }
0x62: {  	_ =	shalt  }
0x63: {  	_ =	shalt  }
0x64: {  	_ =	shalt  }
0x65: {  	_ =	shalt  }
0x66: {  	_ =	shalt  }
0x67: {  	_ =	shalt  }
0x68: {  	_ =	shalt  }
0x69: {  	_ =	shalt  }
0x6a: {  	_ =	shalt  }
0x6b: {  	_ =	shalt  }
0x6c: {  	_ =	shalt  }
0x6d: {  	_ =	shalt  }
0x6e: {  	_ =	shalt  }
0x6f: {  	_ =	shalt  }
0x70: {  	_ =	shalt  }
0x71: {  	_ =	shalt  }
0x72: {  	_ =	shalt  }
0x73: {  	_ =	shalt  }
0x74: {  	_ =	shalt  }
0x75: {  	_ =	shalt  }
0x76: {  	_ =	shalt  }
0x77: {  	_ =	shalt  }
0x78: {  	_ =	shalt  }
0x79: {  	_ =	shalt  }
0x7a: {  	_ =	shalt  }
0x7b: {  	_ =	shalt  }
0x7c: {  	_ =	shalt  }
0x7d: {  	_ =	shalt  }
0x7e: {  	_ =	shalt  }
0x7f: {  	_ =	shalt  }
0x80: {  	_ =	shalt  }
0x81: {  	_ =	shalt  }
0x82: {  	_ =	shalt  }
0x83: {  	_ =	shalt  }
0x84: {  	_ =	shalt  }
0x85: {  	_ =	shalt  }
0x86: {  	_ =	shalt  }
0x87: {  	_ =	shalt  }
.Lfunc_end0:
.L_simem_size_0:
called_computation_lowered:
.L_overlay_start_0:
0x88: {  	s2 =	sld [smem:$0x3FD9]  }
0x89: {  	s3 =	sld [smem:$0x3FFE];
	_ =	sdelay $0x1  }
0x8a: {  	s1 =	srdreg.scid  }
0x8b: {  	s0 =	sand.u32 $0x1, s1  }
0x8c: {  	s17 =	sshll.u32 s0, $0xA;
	s2 =	sadd.s32 s3, s2  }
0x8d: {  	s2 =	sadd.s32 s2, s17  }
0x8e: {  	[smem:$0x3FC3] =	sst s2  }
0x8f: {  	_ = 	snop  }
0x90: {  	s2 =	sld [smem:$0x3FD0];
	(tm) =	ssettm $0x1  }
0x91: {  	s18 =	sld [smem:$0x3FFB];
	_ =	sdelay $0x3  }
0x92: {  	_ =	strace s18  }
0x93: {  	s3 =	sld [smem:$0x3FFC];
	_ =	sdelay $0x3  }
0x94: {  	_ =	strace s3  }
0x95: {  	s3 =	sld [smem:$0x3FFD];
	_ =	sdelay $0x3  }
0x96: {  	_ =	strace s3  }
0x97: {  	_ =	strace $0x8FFFFFFF  }
0x98: {  	s19 =	sld [smem:$0x3FDB];
	_ =	sdelay $0x1  }
0x99: {  	s4 =	simm.s32 $_scs_section_size  }
0x9a: {  	s5 =	simm.s32 $_size__tile_overlayer_lowered;
	s6 =	simm.s32 $_tile_overlayer_lowered  }
0x9b: {  	s22 =	simm.s32 $0x1BFF;
	s21 =	sshll.u32 s6, $0x1;
	s3 =	sadd.s32 s4, s19  }
0x9c: {  	s7 =	simm.s32 $0x0;
	s20 =	sshll.u32 s5, $0x1;
	s5 =	sadd.s32 s21, s3  }
0x9d: {  	[timem:s7], [sflag:s22] =	dma.local [hbm:s5], s20  }
0x9e: {  	_ =	swait.ge [sflag:s22], s20  }
0x9f: {  	s4 =	ssub.s32 $0x0, s20;
	[sflag:s22] =	ssyncset.done $0x0  }
0xa0: {  	[sflag:s22] =	ssyncadd.s32 s4;
	_ =	sdelay $0x1  }
0xa1: {  	s23 =	simm.s32 $0x1B8B  }
0xa2: {  	_ =	swait.ge [sflag:s23], $0x1  }
0xa3: {  	[sflag:s23] =	ssyncset.done $0x0  }
0xa4: {  	s25 =	simm.s32 $0x1B8E;
	s24 =	sld [smem:$0x3FFE];
	[sflag:s23] =	ssyncadd.s32 $0xFFFFFFFF  }
0xa5: {  	s26 =	simm.s32 $execute0_lowered;
	[smem:$0x3FD2] =	sst s25  }
0xa6: {  	s5 =	sshll.u32 s26, $0x1;
	_ =	strace $0x80000046;
	[dreg:$0x1] =	wrdreg $0xFFFFFFFF  }
0xa7: {  	s28 =	simm.s32 $_size_execute0_lowered;
	s3 =	sadd.s32 s3, s5;
	[dreg:$0x0] =	wrdreg $0x0  }
0xa8: {  	s5 =	sshll.u32 s28, $0x1;
	[dreg:$0x2] =	wrdreg s3  }
0xa9: {  	[dreg:$0x3] =	wrdreg s5  }
0xaa: {  	[dreg:$0x4] =	wrdreg $0xC0  }
0xab: {  	_ =	task [dreg:s7], $0x5FFFF  }
0xac: {  	[dreg:$0x1] =	wrdreg $0xFFFFFFFF  }
0xad: {  	[dreg:$0x0] =	wrdreg $0x60  }
0xae: {  	[dreg:$0x2] =	wrdreg s24  }
0xaf: {  	[dreg:$0x3] =	wrdreg s2  }
0xb0: {  	[dreg:$0x4] =	wrdreg $0x9  }
0xb1: {  	_ =	task.clear_ibuf [dreg:s7], $0x5FFFF;
	_ =	strace $0x90000046  }
0xb2: {  	s29 =	simm.s32 $0x9;
	_ =	strace $0x80000048  }
0xb3: {  	_ =	swait.ge [sflag:s29], $0x1  }
0xb4: {  	[sflag:s29] =	ssyncadd.s32 $0xFFFFFFFF  }
0xb5: {  	_ =	strace $0x90000048  }
0xb6: {  	_ =	sfence  }
0xb7: {  	s30 =	sld [smem:$0x0];
	_ =	sdelay $0x2  }
0xb8: {  	s31 =	sshll.u32 s1, $0xD;
	s1 =	sshrl.u32 s1, $0x2  }
0xb9: {  	s3 =	sand.u32 $0x4000, s31;
	s1 =	sadd.s32 s1, s30  }
0xba: {  	s0 =	sor.u32 s3, s0;
	s1 =	sshll.u32 s1, $0x11  }
0xbb: {  	s0 =	sor.u32 s1, s0  }
0xbc: {  	s0 =	sadd.s32 $0x8F2B, s0  }
0xbd: {  	[sflag:s0] =	ssyncadd.remote.s32 $0x1  }
0xbe: {  	_ =	sfence.sel $0xFFFF  }
0xbf: {  	[dreg:$0x0] =	wrdreg $0xFFFFFFFF;
	(pc) =	sbr.abs _section_cstart, $3  }
0xc0: {  	[dreg:$0x1] =	wrdreg $0xFFFFFFFF  }
0xc1: {  	_ =	task.clear_ibuf [dreg:s7], $0x2FFFF;
	_ =	strace $0x9FFFFFFF  }
0xc2: {  	(tm) =	ssettm $0x7FFFFFFF  }
0xc3: {  	_ =	shalt  }
tec
execute0_lowered:
.L_overlay_start_1:
0x0: {  	(tag) =	ssettag $0x1  }
0x1: {  	s5 =	rddreg [dreg:$0x0];
	s1 =	srdreg.scid  }
0x2: {  	s0 =	stileid.u32;
	s6 =	rddreg [dreg:$0x1];
	s2 =	simm.s32 $0x0  }
0x3: {  	s11 =	simm.s32 $0x100;
	s12 =	simm.s32 $0x180;
	s13 =	simm.s32 $0x980  }
0x4: {  	s14 =	simm.s32 $0x1180;
	s15 =	simm.s32 $0x1980;
	s16 =	simm.s32 $0x2180  }
0x5: {  	s17 =	simm.s32 $0x2980;
	s18 =	simm.s32 $0x3180;
	s19 =	simm.s32 $0x3980  }
0x6: {  	s20 =	simm.s32 $0x4180;
	s21 =	simm.s32 $0x4980;
	s22 =	simm.s32 $0x5180  }
0x7: {  	s23 =	simm.s32 $0x5980;
	s24 =	simm.s32 $0x6180;
	s25 =	simm.s32 $0x6980  }
0x8: {  	s28 =	simm.s32 $0x7980;
	s7 =	sand.u32 $0x1, s1;
	s1 =	rddreg [dreg:$0x2]  }
0x9: {  	s29 =	simm.s32 $0x1;
	s3 =	sshll.u32 s0, $0x1;
	[smem:$0x7FF] =	sst s2  }
0xa: {  	s4 =	sadd.s32 $0x400, s5;
	s30 =	sshll.u32 s0, $0x6;
	s8 =	sor.u32 s7, s3  }
0xb: {  	_ =	strace $0x80000047;
	s3 =	sadd.s32 $0x600, s5;
	s26 =	ssub.s32 $0x2, s7  }
0xc: {  	s7 =	sand.u32 $0x300, s30;
	s9 =	smul.u32 $0x1080, s8;
	s10 =	sshrl.u32 s26, $0x1  }
0xd: {  	s8 =	sshll.u32 s8, $0x4;
	s6 =	sadd.s32 s6, s7;
	s10 =	ssub.s32 s26, s10  }
0xe: {  	s31 =	sand.u32 $0x70, s8;
	s8 =	simm.s32 $0x80;
	s26 =	simm.s32 $0x7180  }
0xf: {  	s9 =	sadd.s32 s9, s5;
	s5 =	sadd.s32 s31, s6;
	s7 =	smax.u32 s10, $0x1  }
0x10: {  	vm0 =	vmmov $0xffff;
	s10 =	simm.s32 $0x2;
	s6 =	sadd.s32 $0x80600, s9;
	s9 =	simm.s32 $0x400  }
.LBB2_1:
0x11: {  	[tilespmem:s2], [sflag:$0x2] =	stream.strided.gather [hbm4b:s5+s8], $0x100, s9, s8, $0x38;
	[tilespmem:$0x8500] =	vst v63  }
0x12: {  	_ =	swait.ge [sflag:s10], $0x100  }
0x13: {  	[sflag:s10] =	ssyncset.done $0x0  }
0x14: {  	[sflag:s10] =	ssyncadd.s32 $0xFFFFFF00  }
0x15: {  	[tilespmem:s11], [sflag:$0x2] =	stream.linear.gather [hbm4b:s4+s2], $0x80, $0x38;
	[tilespmem:$0x8500] =	vst v63  }
0x16: {  	_ =	swait.ge [sflag:s10], $0x80  }
0x17: {  	[sflag:s10] =	ssyncset.done $0x0  }
0x18: {  	[sflag:s10] =	ssyncadd.s32 $0xFFFFFF80  }
0x19: {  	v0 =	vld [tilespmem:$0x0];
	_ =	sdelay $0x7  }
0x1a: {  	[tilespmem:s12], [sflag:$0x1] =	stream.indirect_vreg.gather [hbm4b:s3+s2], $0x80, v0, vm0, $0xb8;
	[tilespmem:$0x8500] =	vst v63  }
0x1b: {  	v0 =	vld [tilespmem:$0x10];
	_ =	sdelay $0x7  }
0x1c: {  	[tilespmem:s13], [sflag:$0x1] =	stream.indirect_vreg.gather [hbm4b:s3+s2], $0x80, v0, vm0, $0xb8;
	[tilespmem:$0x8500] =	vst v63  }
0x1d: {  	v0 =	vld [tilespmem:$0x20];
	_ =	sdelay $0x7  }
0x1e: {  	[tilespmem:s14], [sflag:$0x1] =	stream.indirect_vreg.gather [hbm4b:s3+s2], $0x80, v0, vm0, $0xb8;
	[tilespmem:$0x8500] =	vst v63  }
0x1f: {  	v0 =	vld [tilespmem:$0x30];
	_ =	sdelay $0x7  }
0x20: {  	[tilespmem:s15], [sflag:$0x1] =	stream.indirect_vreg.gather [hbm4b:s3+s2], $0x80, v0, vm0, $0xb8;
	[tilespmem:$0x8500] =	vst v63  }
0x21: {  	v0 =	vld [tilespmem:$0x40];
	_ =	sdelay $0x7  }
0x22: {  	[tilespmem:s16], [sflag:$0x1] =	stream.indirect_vreg.gather [hbm4b:s3+s2], $0x80, v0, vm0, $0xb8;
	[tilespmem:$0x8500] =	vst v63  }
0x23: {  	v0 =	vld [tilespmem:$0x50];
	_ =	sdelay $0x7  }
0x24: {  	[tilespmem:s17], [sflag:$0x1] =	stream.indirect_vreg.gather [hbm4b:s3+s2], $0x80, v0, vm0, $0xb8;
	[tilespmem:$0x8500] =	vst v63  }
0x25: {  	v0 =	vld [tilespmem:$0x60];
	_ =	sdelay $0x7  }
0x26: {  	[tilespmem:s18], [sflag:$0x1] =	stream.indirect_vreg.gather [hbm4b:s3+s2], $0x80, v0, vm0, $0xb8;
	[tilespmem:$0x8500] =	vst v63  }
0x27: {  	v0 =	vld [tilespmem:$0x70];
	_ =	sdelay $0x7  }
0x28: {  	[tilespmem:s19], [sflag:$0x1] =	stream.indirect_vreg.gather [hbm4b:s3+s2], $0x80, v0, vm0, $0xb8;
	[tilespmem:$0x8500] =	vst v63  }
0x29: {  	v0 =	vld [tilespmem:$0x80];
	_ =	sdelay $0x7  }
0x2a: {  	[tilespmem:s20], [sflag:$0x1] =	stream.indirect_vreg.gather [hbm4b:s3+s2], $0x80, v0, vm0, $0xb8;
	[tilespmem:$0x8500] =	vst v63  }
0x2b: {  	v0 =	vld [tilespmem:$0x90];
	_ =	sdelay $0x7  }
0x2c: {  	[tilespmem:s21], [sflag:$0x1] =	stream.indirect_vreg.gather [hbm4b:s3+s2], $0x80, v0, vm0, $0xb8;
	[tilespmem:$0x8500] =	vst v63  }
0x2d: {  	v0 =	vld [tilespmem:$0xA0];
	_ =	sdelay $0x7  }
0x2e: {  	[tilespmem:s22], [sflag:$0x1] =	stream.indirect_vreg.gather [hbm4b:s3+s2], $0x80, v0, vm0, $0xb8;
	[tilespmem:$0x8500] =	vst v63  }
0x2f: {  	v0 =	vld [tilespmem:$0xB0];
	_ =	sdelay $0x7  }
0x30: {  	[tilespmem:s23], [sflag:$0x1] =	stream.indirect_vreg.gather [hbm4b:s3+s2], $0x80, v0, vm0, $0xb8;
	[tilespmem:$0x8500] =	vst v63  }
0x31: {  	v0 =	vld [tilespmem:$0xC0];
	_ =	sdelay $0x7  }
0x32: {  	[tilespmem:s24], [sflag:$0x1] =	stream.indirect_vreg.gather [hbm4b:s3+s2], $0x80, v0, vm0, $0xb8;
	[tilespmem:$0x8500] =	vst v63  }
0x33: {  	v0 =	vld [tilespmem:$0xD0];
	_ =	sdelay $0x7  }
0x34: {  	[tilespmem:s25], [sflag:$0x1] =	stream.indirect_vreg.gather [hbm4b:s3+s2], $0x80, v0, vm0, $0xb8;
	[tilespmem:$0x8500] =	vst v63  }
0x35: {  	v0 =	vld [tilespmem:$0xE0];
	_ =	sdelay $0x7  }
0x36: {  	[tilespmem:s26], [sflag:$0x1] =	stream.indirect_vreg.gather [hbm4b:s3+s2], $0x80, v0, vm0, $0xb8;
	[tilespmem:$0x8500] =	vst v63  }
0x37: {  	v0 =	vld [tilespmem:$0xF0];
	_ =	sdelay $0x7  }
0x38: {  	[tilespmem:s28], [sflag:$0x1] =	stream.indirect_vreg.gather [hbm4b:s3+s2], $0x80, v0, vm0, $0xb8;
	[tilespmem:$0x8500] =	vst v63  }
0x39: {  	_ =	swait.ge [sflag:s29], $0x800  }
0x3a: {  	[sflag:s29] =	ssyncset.done $0x0  }
0x3b: {  	[sflag:s29] =	ssyncadd.s32 $0xFFFFF800  }
0x3c: {  	_ =	swait.ge [sflag:s29], $0x800  }
0x3d: {  	[sflag:s29] =	ssyncset.done $0x0  }
0x3e: {  	[sflag:s29] =	ssyncadd.s32 $0xFFFFF800  }
0x3f: {  	_ =	swait.ge [sflag:s29], $0x800  }
0x40: {  	[sflag:s29] =	ssyncset.done $0x0  }
0x41: {  	[sflag:s29] =	ssyncadd.s32 $0xFFFFF800  }
0x42: {  	_ =	swait.ge [sflag:s29], $0x800  }
0x43: {  	[sflag:s29] =	ssyncset.done $0x0  }
0x44: {  	[sflag:s29] =	ssyncadd.s32 $0xFFFFF800  }
0x45: {  	_ =	swait.ge [sflag:s29], $0x800  }
0x46: {  	[sflag:s29] =	ssyncset.done $0x0  }
0x47: {  	[sflag:s29] =	ssyncadd.s32 $0xFFFFF800  }
0x48: {  	_ =	swait.ge [sflag:s29], $0x800  }
0x49: {  	[sflag:s29] =	ssyncset.done $0x0  }
0x4a: {  	[sflag:s29] =	ssyncadd.s32 $0xFFFFF800  }
0x4b: {  	_ =	swait.ge [sflag:s29], $0x800  }
0x4c: {  	[sflag:s29] =	ssyncset.done $0x0  }
0x4d: {  	[sflag:s29] =	ssyncadd.s32 $0xFFFFF800  }
0x4e: {  	_ =	swait.ge [sflag:s29], $0x800  }
0x4f: {  	[sflag:s29] =	ssyncset.done $0x0  }
0x50: {  	[sflag:s29] =	ssyncadd.s32 $0xFFFFF800  }
0x51: {  	_ =	swait.ge [sflag:s29], $0x800  }
0x52: {  	[sflag:s29] =	ssyncset.done $0x0  }
0x53: {  	[sflag:s29] =	ssyncadd.s32 $0xFFFFF800  }
0x54: {  	_ =	swait.ge [sflag:s29], $0x800  }
0x55: {  	[sflag:s29] =	ssyncset.done $0x0  }
0x56: {  	[sflag:s29] =	ssyncadd.s32 $0xFFFFF800  }
0x57: {  	_ =	swait.ge [sflag:s29], $0x800  }
0x58: {  	[sflag:s29] =	ssyncset.done $0x0  }
0x59: {  	[sflag:s29] =	ssyncadd.s32 $0xFFFFF800  }
0x5a: {  	_ =	swait.ge [sflag:s29], $0x800  }
0x5b: {  	[sflag:s29] =	ssyncset.done $0x0  }
0x5c: {  	[sflag:s29] =	ssyncadd.s32 $0xFFFFF800  }
0x5d: {  	_ =	swait.ge [sflag:s29], $0x800  }
0x5e: {  	[sflag:s29] =	ssyncset.done $0x0  }
0x5f: {  	[sflag:s29] =	ssyncadd.s32 $0xFFFFF800  }
0x60: {  	_ =	swait.ge [sflag:s29], $0x800  }
0x61: {  	[sflag:s29] =	ssyncset.done $0x0  }
0x62: {  	[sflag:s29] =	ssyncadd.s32 $0xFFFFF800  }
0x63: {  	_ =	swait.ge [sflag:s29], $0x800  }
0x64: {  	[sflag:s29] =	ssyncset.done $0x0  }
0x65: {  	[sflag:s29] =	ssyncadd.s32 $0xFFFFF800  }
0x66: {  	_ =	swait.ge [sflag:s29], $0x800  }
0x67: {  	p0 =	sne.s32 s7, $0x1;
	[sflag:s29] =	ssyncset.done $0x0  }
.Ltmp0:
0x68: {  	[sflag:s29] =	ssyncadd.s32 $0xFFFFF800;
	(pc) =	sbr.rel @p0 .LBB2_1-.Ltmp0, $4  }
0x69: {  	[hbm4b:s6+s2] =	stream.linear.scatter [tilespmem:s11], [sflag:$0x2], $0x8080, $0x38;
	[tilespmem:$0x8500] =	vst v63  }
0x6a: {  	_ =	swait.ge [sflag:s10], $0x8080  }
0x6b: {  	[sflag:s10] =	ssyncset.done $0x0  }
0x6c: {  	s7 =	sadd.s32 $0xFFFFFFFF, s7;
	[sflag:s10] =	ssyncadd.s32 $0xFFFF7F80  }
0x6d: {  	_ =	sfence.sel $0x180000  }
0x6e: {  	[bflag:$0x0] =	sbarrier.arrive $0xFFFF  }
0x6f: {  	p0 =	sne.s32 s0, $0x0;
	_ =	strace $0x90000047  }
0x70: {  	s0 =	sadd.s32 @!p0 $0x100000, s1;
	[bflag:$0x2] =	sbarrier.arrive $0xFFFF  }
0x71: {  	[sflag:s0] =	ssyncadd.tile.s32 @!p0 $0x1;
	_ =	shalt  }
.Lfunc_end2:
_tile_overlayer_lowered:
.L_overlay_start_2:
0x72: {  	(tag) =	ssettag $0x2  }
0x73: {  	s0 =	rddreg [dreg:$0x0];
	s2 =	stileid.u32  }
0x74: {  	s1 =	rddreg [dreg:$0x1];
	p0 =	sne.s32 s2, $0x0  }
0x75: {  	s3 =	rddreg [dreg:$0x2];
	[bflag:$0x3] =	sbarrier.arrive $0xFFFF;
	s2 =	simm.s32 @!p0 $0x1C02  }
0x76: {  	[timem:s3], [sflag:s2] =	dma.local @!p0 [hbm:s0], s1  }
0x77: {  	s0 =	simm.s32 @!p0 $0x2  }
0x78: {  	_ =	swait.ge @!p0 [sflag:s0], s1  }
0x79: {  	s1 =	ssub.s32 @!p0 $0x0, s1;
	[sflag:s0] =	ssyncset.done @!p0 $0x0  }
0x7a: {  	[sflag:s0] =	ssyncadd.s32 @!p0 s1  }
0x7b: {  	[bflag:$0x3] =	sbarrier.arrive $0xFFFF  }
0x7c: {  	_ =	shalt  }

</sc_bundles>
